<compile_context>
chip_gen: v7x
topology: tpu7x:2x2x1
jax: 0.10.2.dev20260603
libtpu: 0.0.44.dev20260713+nightly
codegen_flags: <defaults>
</compile_context>

<pallas_src>
import functools

import jax
import jax.numpy as jnp
from jax import lax
from jax.experimental import pallas as pl
from jax.experimental.pallas import tpu as pltpu
from jax.experimental.pallas import tpu_sc as plsc

K = 128
CH = 128
NBUF = 6
PF = 4
W = 128


def _make_kernel(N, n_chunks, per_w, NC):
    mesh = plsc.VectorSubcoreMesh(core_axis_name="c", subcore_axis_name="s")

    @functools.partial(
        pl.kernel,
        mesh=mesh,
        out_type=jax.ShapeDtypeStruct((N, W), jnp.float32),
        compiler_params=pltpu.CompilerParams(use_tc_tiling_on_sc=True),
        scratch_types=[
            pltpu.VMEM((per_w,), jnp.int32),
            pltpu.VMEM((NBUF, CH, W), jnp.float32),
            [pltpu.SemaphoreType.DMA] * NBUF,
            [pltpu.SemaphoreType.DMA] * NBUF,
        ],
    )
    def emb_kernel(idx_hbm, table_hbm, out_hbm, idx_v, rows_v, gsems, osems):
        wid = lax.axis_index("s") * NC + lax.axis_index("c")
        row_base = wid * per_w

        pltpu.sync_copy(
            idx_hbm.at[pl.ds(pl.multiple_of(row_base, CH), per_w)], idx_v
        )

        def fire_gathers(c, b):
            pltpu.async_copy(
                table_hbm.at[idx_v.at[pl.ds(c * CH, K)]],
                rows_v.at[b],
                gsems[b],
            )

        def wait_gathers(c, b):
            pltpu.make_async_copy(
                table_hbm.at[idx_v.at[pl.ds(c * CH, K)]],
                rows_v.at[b],
                gsems[b],
            ).wait()

        def fire_out(c, b):
            off = pl.multiple_of(row_base + c * CH, CH)
            pltpu.async_copy(rows_v.at[b], out_hbm.at[pl.ds(off, CH)], osems[b])

        def wait_out(c, b):
            off = pl.multiple_of(row_base + c * CH, CH)
            pltpu.make_async_copy(
                rows_v.at[b], out_hbm.at[pl.ds(off, CH)], osems[b]
            ).wait()

        for c in range(PF):
            fire_gathers(c, c % NBUF)
        for c in range(PF):
            cg = c + PF
            if cg >= NBUF:
                wait_out(cg - NBUF, cg % NBUF)
            fire_gathers(cg, cg % NBUF)
            wait_gathers(c, c % NBUF)
            fire_out(c, c % NBUF)

        n_steady = n_chunks - 2 * PF
        assert n_steady % NBUF == 0
        n_groups = n_steady // NBUF

        def group(it, carry):
            c0 = PF + it * NBUF
            for k in range(NBUF):
                c = c0 + k
                b = (PF + k) % NBUF
                b2 = (PF + k + PF) % NBUF
                wait_out(c + PF - NBUF, b2)
                fire_gathers(c + PF, b2)
                wait_gathers(c, b)
                fire_out(c, b)
            return carry

        lax.fori_loop(0, n_groups, group, 0)

        for c in range(n_chunks - PF, n_chunks):
            b = c % NBUF
            wait_gathers(c, b)
            fire_out(c, b)
        for c in range(n_chunks - NBUF, n_chunks):
            wait_out(c, c % NBUF)

    return emb_kernel


def kernel(indexseq, table):
    B, S = indexseq.shape
    V, D = table.shape
    N = B * S
    info = plsc.get_sparse_core_info()
    NW = info.num_cores * info.num_subcores
    per_w = N // NW
    n_chunks = per_w // CH
    tab128 = jnp.pad(table.T, ((0, W - D), (0, 0))).T
    idx1d = indexseq.T.reshape(N)
    out = _make_kernel(N, n_chunks, per_w, info.num_cores)(idx1d, tab128)
    return out[:, :D].reshape(S, B, D)

# --- scband reference (transcript-rebuilt; emitter-appended) ---
"""Pipeline reference for scband-word-embeddings-13408887898437 (READ-ONLY COPY).

The authoritative reference and input builder live on the scoring server;
editing this copy changes nothing except your own understanding.
"""

import jax, jax.numpy as jnp
import numpy as np

VOCAB = 1000000
EMB = 64
BATCH = 4096
SEQLEN = 200

def setup_inputs(seed: int = 0) -> dict:
    key = jax.random.key(seed)
    k_idx, k_tab = jax.random.split(key)
    indexseq = jax.random.randint(k_idx, (BATCH, SEQLEN), 0, VOCAB, dtype=jnp.int64 if jax.config.jax_enable_x64 else jnp.int32)
    table = jax.random.normal(k_tab, (VOCAB, EMB), dtype=jnp.float32)
    return {"indexseq": indexseq, "table": table}

def reference(indexseq, table):
    # nn.Embedding lookup: [B, S] -> [B, S, E]
    emb = jnp.take(table, indexseq, axis=0)
    # permute(1, 0, 2): [B, S, E] -> [S, B, E]
    out = jnp.transpose(emb, (1, 0, 2))
    return out

if __name__ == "__main__":
    import jax
    _d = setup_inputs()
    print(jax.jit(kernel)(*tuple(_d.values())))

</pallas_src>

<mosaic_0001>
#map = affine_map<(d0, d1) -> (0)>
#map1 = affine_map<(d0, d1) -> (0, 0)>
module attributes {stable_mosaic.version = 14 : i64} {
  func.func @emb_kernel(%arg0: i32, %arg1: i32, %arg2: memref<819200xi32, #tpu.memory_space<hbm>>, %arg3: memref<1000000x128xf32, #tpu.memory_space<hbm>>, %arg4: memref<819200x128xf32, #tpu.memory_space<hbm>>, %arg5: memref<25600xi32, #tpu.memory_space<vmem>>, %arg6: memref<6x128x128xf32, #tpu.memory_space<vmem>>, %arg7: memref<!tpu.dma_semaphore, #tpu.memory_space<semaphore_mem>>, %arg8: memref<!tpu.dma_semaphore, #tpu.memory_space<semaphore_mem>>, %arg9: memref<!tpu.dma_semaphore, #tpu.memory_space<semaphore_mem>>, %arg10: memref<!tpu.dma_semaphore, #tpu.memory_space<semaphore_mem>>, %arg11: memref<!tpu.dma_semaphore, #tpu.memory_space<semaphore_mem>>, %arg12: memref<!tpu.dma_semaphore, #tpu.memory_space<semaphore_mem>>, %arg13: memref<!tpu.dma_semaphore, #tpu.memory_space<semaphore_mem>>, %arg14: memref<!tpu.dma_semaphore, #tpu.memory_space<semaphore_mem>>, %arg15: memref<!tpu.dma_semaphore, #tpu.memory_space<semaphore_mem>>, %arg16: memref<!tpu.dma_semaphore, #tpu.memory_space<semaphore_mem>>, %arg17: memref<!tpu.dma_semaphore, #tpu.memory_space<semaphore_mem>>, %arg18: memref<!tpu.dma_semaphore, #tpu.memory_space<semaphore_mem>>) attributes {dimension_semantics = [#tpu.dimension_semantics<core_parallel>, #tpu.dimension_semantics<subcore_parallel>], iteration_bounds = array<i64: 2, 16>, scalar_prefetch = 0 : i64, scratch_operands = 14 : i64, tpu.core_type = #tpu.core_type<sc_vector_subcore>, window_params = [{transform_indices = #map}, {transform_indices = #map1}, {transform_indices = #map1}]} {
    %mul3A = arith.constant 2 : i32
    %mul3A_0 = arith.muli %arg1, %mul3A : i32
    %add3A = arith.addi %mul3A_0, %arg0 : i32
    %mul3A_1 = arith.constant 25600 : i32
    %mul3A_2 = arith.muli %add3A, %mul3A_1 : i32
    %multiple_of3A = tpu.assume_multiple %mul3A_2, 128 : i32
    "tpu.region"() ({
      %run_scoped3A = tpu.sem_alloc : memref<!tpu.dma_semaphore, #tpu.memory_space<semaphore_mem>>
      %dma_start3A_422 = tpu.memref_slice %arg2[%multiple_of3A] : memref<819200xi32, #tpu.memory_space<hbm>> -> memref<25600xi32, #tpu.memory_space<hbm>>
      %dma_start3A_423 = tpu.memref_slice %arg2[%multiple_of3A] : memref<819200xi32, #tpu.memory_space<hbm>> -> memref<25600xi32, #tpu.memory_space<hbm>>
      tpu.enqueue_dma source(%dma_start3A_423 : memref<25600xi32, #tpu.memory_space<hbm>>) target(%arg5 : memref<25600xi32, #tpu.memory_space<vmem>>) target_semaphore(%run_scoped3A : memref<!tpu.dma_semaphore, #tpu.memory_space<semaphore_mem>>)
      %dma_wait3A_424 = tpu.memref_slice %arg2[%multiple_of3A] : memref<819200xi32, #tpu.memory_space<hbm>> -> memref<25600xi32, #tpu.memory_space<hbm>>
      %dma_wait3A_425 = tpu.memref_slice %arg2[%multiple_of3A] : memref<819200xi32, #tpu.memory_space<hbm>> -> memref<25600xi32, #tpu.memory_space<hbm>>
      tpu.wait_dma2 semaphore(%run_scoped3A : memref<!tpu.dma_semaphore, #tpu.memory_space<semaphore_mem>>) src(%dma_wait3A_425 : memref<25600xi32, #tpu.memory_space<hbm>>) dst(%arg5 : memref<25600xi32, #tpu.memory_space<vmem>>)
      tpu.yield
    }) : () -> ()
    %dma_start3A = arith.constant 0 : i32
    %dma_start3A_3 = arith.constant 0 : i32
    %dma_start3A_4 = arith.constant 0 : i32
    %dma_start3A_5 = tpu.memref_slice %arg6[%dma_start3A, %dma_start3A_3, %dma_start3A_4] : memref<6x128x128xf32, #tpu.memory_space<vmem>> -> memref<1x128x128xf32, #tpu.memory_space<vmem>>
    %dma_start3A_6 = tpu.memref_squeeze %dma_start3A_5 : memref<1x128x128xf32, #tpu.memory_space<vmem>> -> memref<128x128xf32, #tpu.memory_space<vmem>>
    %dma_start3A_7 = arith.constant 0 : i32
    %dma_start3A_8 = tpu.memref_slice %arg5[%dma_start3A_7] : memref<25600xi32, #tpu.memory_space<vmem>> -> memref<128xi32, #tpu.memory_space<vmem>>
    %dma_start3A_9 = arith.constant 0 : i32
    %dma_start3A_10 = arith.constant 0 : i32
    %dma_start3A_11 = tpu.memref_slice %arg3[%dma_start3A_9, %dma_start3A_10] : memref<1000000x128xf32, #tpu.memory_space<hbm>> -> memref<1000000x128xf32, #tpu.memory_space<hbm>>
    tpu.enqueue_indirect_dma source(%dma_start3A_11 : memref<1000000x128xf32, #tpu.memory_space<hbm>>) target(%dma_start3A_6 : memref<128x128xf32, #tpu.memory_space<vmem>>) offsets(%dma_start3A_8 : memref<128xi32, #tpu.memory_space<vmem>>) semaphore(%arg7 : memref<!tpu.dma_semaphore, #tpu.memory_space<semaphore_mem>>)
    %dma_start3A_12 = arith.constant 1 : i32
    %dma_start3A_13 = arith.constant 0 : i32
    %dma_start3A_14 = arith.constant 0 : i32
    %dma_start3A_15 = tpu.memref_slice %arg6[%dma_start3A_12, %dma_start3A_13, %dma_start3A_14] : memref<6x128x128xf32, #tpu.memory_space<vmem>> -> memref<1x128x128xf32, #tpu.memory_space<vmem>>
    %dma_start3A_16 = tpu.memref_squeeze %dma_start3A_15 : memref<1x128x128xf32, #tpu.memory_space<vmem>> -> memref<128x128xf32, #tpu.memory_space<vmem>>
    %dma_start3A_17 = arith.constant 128 : i32
    %dma_start3A_18 = tpu.memref_slice %arg5[%dma_start3A_17] : memref<25600xi32, #tpu.memory_space<vmem>> -> memref<128xi32, #tpu.memory_space<vmem>>
    %dma_start3A_19 = arith.constant 0 : i32
    %dma_start3A_20 = arith.constant 0 : i32
    %dma_start3A_21 = tpu.memref_slice %arg3[%dma_start3A_19, %dma_start3A_20] : memref<1000000x128xf32, #tpu.memory_space<hbm>> -> memref<1000000x128xf32, #tpu.memory_space<hbm>>
    tpu.enqueue_indirect_dma source(%dma_start3A_21 : memref<1000000x128xf32, #tpu.memory_space<hbm>>) target(%dma_start3A_16 : memref<128x128xf32, #tpu.memory_space<vmem>>) offsets(%dma_start3A_18 : memref<128xi32, #tpu.memory_space<vmem>>) semaphore(%arg8 : memref<!tpu.dma_semaphore, #tpu.memory_space<semaphore_mem>>)
    %dma_start3A_22 = arith.constant 2 : i32
    %dma_start3A_23 = arith.constant 0 : i32
    %dma_start3A_24 = arith.constant 0 : i32
    %dma_start3A_25 = tpu.memref_slice %arg6[%dma_start3A_22, %dma_start3A_23, %dma_start3A_24] : memref<6x128x128xf32, #tpu.memory_space<vmem>> -> memref<1x128x128xf32, #tpu.memory_space<vmem>>
    %dma_start3A_26 = tpu.memref_squeeze %dma_start3A_25 : memref<1x128x128xf32, #tpu.memory_space<vmem>> -> memref<128x128xf32, #tpu.memory_space<vmem>>
    %dma_start3A_27 = arith.constant 256 : i32
    %dma_start3A_28 = tpu.memref_slice %arg5[%dma_start3A_27] : memref<25600xi32, #tpu.memory_space<vmem>> -> memref<128xi32, #tpu.memory_space<vmem>>
    %dma_start3A_29 = arith.constant 0 : i32
    %dma_start3A_30 = arith.constant 0 : i32
    %dma_start3A_31 = tpu.memref_slice %arg3[%dma_start3A_29, %dma_start3A_30] : memref<1000000x128xf32, #tpu.memory_space<hbm>> -> memref<1000000x128xf32, #tpu.memory_space<hbm>>
    tpu.enqueue_indirect_dma source(%dma_start3A_31 : memref<1000000x128xf32, #tpu.memory_space<hbm>>) target(%dma_start3A_26 : memref<128x128xf32, #tpu.memory_space<vmem>>) offsets(%dma_start3A_28 : memref<128xi32, #tpu.memory_space<vmem>>) semaphore(%arg9 : memref<!tpu.dma_semaphore, #tpu.memory_space<semaphore_mem>>)
    %dma_start3A_32 = arith.constant 3 : i32
    %dma_start3A_33 = arith.constant 0 : i32
    %dma_start3A_34 = arith.constant 0 : i32
    %dma_start3A_35 = tpu.memref_slice %arg6[%dma_start3A_32, %dma_start3A_33, %dma_start3A_34] : memref<6x128x128xf32, #tpu.memory_space<vmem>> -> memref<1x128x128xf32, #tpu.memory_space<vmem>>
    %dma_start3A_36 = tpu.memref_squeeze %dma_start3A_35 : memref<1x128x128xf32, #tpu.memory_space<vmem>> -> memref<128x128xf32, #tpu.memory_space<vmem>>
    %dma_start3A_37 = arith.constant 384 : i32
    %dma_start3A_38 = tpu.memref_slice %arg5[%dma_start3A_37] : memref<25600xi32, #tpu.memory_space<vmem>> -> memref<128xi32, #tpu.memory_space<vmem>>
    %dma_start3A_39 = arith.constant 0 : i32
    %dma_start3A_40 = arith.constant 0 : i32
    %dma_start3A_41 = tpu.memref_slice %arg3[%dma_start3A_39, %dma_start3A_40] : memref<1000000x128xf32, #tpu.memory_space<hbm>> -> memref<1000000x128xf32, #tpu.memory_space<hbm>>
    tpu.enqueue_indirect_dma source(%dma_start3A_41 : memref<1000000x128xf32, #tpu.memory_space<hbm>>) target(%dma_start3A_36 : memref<128x128xf32, #tpu.memory_space<vmem>>) offsets(%dma_start3A_38 : memref<128xi32, #tpu.memory_space<vmem>>) semaphore(%arg10 : memref<!tpu.dma_semaphore, #tpu.memory_space<semaphore_mem>>)
    %dma_start3A_42 = arith.constant 4 : i32
    %dma_start3A_43 = arith.constant 0 : i32
    %dma_start3A_44 = arith.constant 0 : i32
    %dma_start3A_45 = tpu.memref_slice %arg6[%dma_start3A_42, %dma_start3A_43, %dma_start3A_44] : memref<6x128x128xf32, #tpu.memory_space<vmem>> -> memref<1x128x128xf32, #tpu.memory_space<vmem>>
    %dma_start3A_46 = tpu.memref_squeeze %dma_start3A_45 : memref<1x128x128xf32, #tpu.memory_space<vmem>> -> memref<128x128xf32, #tpu.memory_space<vmem>>
    %dma_start3A_47 = arith.constant 512 : i32
    %dma_start3A_48 = tpu.memref_slice %arg5[%dma_start3A_47] : memref<25600xi32, #tpu.memory_space<vmem>> -> memref<128xi32, #tpu.memory_space<vmem>>
    %dma_start3A_49 = arith.constant 0 : i32
    %dma_start3A_50 = arith.constant 0 : i32
    %dma_start3A_51 = tpu.memref_slice %arg3[%dma_start3A_49, %dma_start3A_50] : memref<1000000x128xf32, #tpu.memory_space<hbm>> -> memref<1000000x128xf32, #tpu.memory_space<hbm>>
    tpu.enqueue_indirect_dma source(%dma_start3A_51 : memref<1000000x128xf32, #tpu.memory_space<hbm>>) target(%dma_start3A_46 : memref<128x128xf32, #tpu.memory_space<vmem>>) offsets(%dma_start3A_48 : memref<128xi32, #tpu.memory_space<vmem>>) semaphore(%arg11 : memref<!tpu.dma_semaphore, #tpu.memory_space<semaphore_mem>>)
    %dma_wait3A = arith.constant 0 : i32
    %dma_wait3A_52 = arith.constant 0 : i32
    %dma_wait3A_53 = arith.constant 0 : i32
    %dma_wait3A_54 = tpu.memref_slice %arg6[%dma_wait3A, %dma_wait3A_52, %dma_wait3A_53] : memref<6x128x128xf32, #tpu.memory_space<vmem>> -> memref<1x128x128xf32, #tpu.memory_space<vmem>>
    %dma_wait3A_55 = tpu.memref_squeeze %dma_wait3A_54 : memref<1x128x128xf32, #tpu.memory_space<vmem>> -> memref<128x128xf32, #tpu.memory_space<vmem>>
    %dma_wait3A_56 = arith.constant 0 : i32
    %dma_wait3A_57 = tpu.memref_slice %arg5[%dma_wait3A_56] : memref<25600xi32, #tpu.memory_space<vmem>> -> memref<128xi32, #tpu.memory_space<vmem>>
    %dma_wait3A_58 = arith.constant 0 : i32
    %dma_wait3A_59 = arith.constant 0 : i32
    %dma_wait3A_60 = tpu.memref_slice %arg3[%dma_wait3A_58, %dma_wait3A_59] : memref<1000000x128xf32, #tpu.memory_space<hbm>> -> memref<1000000x128xf32, #tpu.memory_space<hbm>>
    tpu.wait_indirect_dma semaphore(%arg7 : memref<!tpu.dma_semaphore, #tpu.memory_space<semaphore_mem>>) src(%dma_wait3A_60 : memref<1000000x128xf32, #tpu.memory_space<hbm>>) dst(%dma_wait3A_55 : memref<128x128xf32, #tpu.memory_space<vmem>>)
    %add3A_61 = arith.constant 0 : i32
    %add3A_62 = arith.addi %mul3A_2, %add3A_61 : i32
    %multiple_of3A_63 = tpu.assume_multiple %add3A_62, 128 : i32
    %dma_start3A_64 = arith.constant 0 : i32
    %dma_start3A_65 = arith.constant 0 : i32
    %dma_start3A_66 = arith.constant 0 : i32
    %dma_start3A_67 = tpu.memref_slice %arg6[%dma_start3A_64, %dma_start3A_65, %dma_start3A_66] : memref<6x128x128xf32, #tpu.memory_space<vmem>> -> memref<1x128x128xf32, #tpu.memory_space<vmem>>
    %dma_start3A_68 = tpu.memref_squeeze %dma_start3A_67 : memref<1x128x128xf32, #tpu.memory_space<vmem>> -> memref<128x128xf32, #tpu.memory_space<vmem>>
    %dma_start3A_69 = arith.constant 0 : i32
    %dma_start3A_70 = tpu.memref_slice %arg4[%multiple_of3A_63, %dma_start3A_69] : memref<819200x128xf32, #tpu.memory_space<hbm>> -> memref<128x128xf32, #tpu.memory_space<hbm>>
    %dma_start3A_71 = arith.constant 0 : i32
    %dma_start3A_72 = tpu.memref_slice %arg4[%multiple_of3A_63, %dma_start3A_71] : memref<819200x128xf32, #tpu.memory_space<hbm>> -> memref<128x128xf32, #tpu.memory_space<hbm>>
    %dma_start3A_73 = arith.constant 0 : i32
    %dma_start3A_74 = arith.constant 0 : i32
    %dma_start3A_75 = tpu.memref_slice %arg6[%dma_start3A_64, %dma_start3A_73, %dma_start3A_74] : memref<6x128x128xf32, #tpu.memory_space<vmem>> -> memref<1x128x128xf32, #tpu.memory_space<vmem>>
    %dma_start3A_76 = tpu.memref_squeeze %dma_start3A_75 : memref<1x128x128xf32, #tpu.memory_space<vmem>> -> memref<128x128xf32, #tpu.memory_space<vmem>>
    tpu.enqueue_dma source(%dma_start3A_76 : memref<128x128xf32, #tpu.memory_space<vmem>>) target(%dma_start3A_72 : memref<128x128xf32, #tpu.memory_space<hbm>>) target_semaphore(%arg13 : memref<!tpu.dma_semaphore, #tpu.memory_space<semaphore_mem>>)
    %dma_start3A_77 = arith.constant 5 : i32
    %dma_start3A_78 = arith.constant 0 : i32
    %dma_start3A_79 = arith.constant 0 : i32
    %dma_start3A_80 = tpu.memref_slice %arg6[%dma_start3A_77, %dma_start3A_78, %dma_start3A_79] : memref<6x128x128xf32, #tpu.memory_space<vmem>> -> memref<1x128x128xf32, #tpu.memory_space<vmem>>
    %dma_start3A_81 = tpu.memref_squeeze %dma_start3A_80 : memref<1x128x128xf32, #tpu.memory_space<vmem>> -> memref<128x128xf32, #tpu.memory_space<vmem>>
    %dma_start3A_82 = arith.constant 640 : i32
    %dma_start3A_83 = tpu.memref_slice %arg5[%dma_start3A_82] : memref<25600xi32, #tpu.memory_space<vmem>> -> memref<128xi32, #tpu.memory_space<vmem>>
    %dma_start3A_84 = arith.constant 0 : i32
    %dma_start3A_85 = arith.constant 0 : i32
    %dma_start3A_86 = tpu.memref_slice %arg3[%dma_start3A_84, %dma_start3A_85] : memref<1000000x128xf32, #tpu.memory_space<hbm>> -> memref<1000000x128xf32, #tpu.memory_space<hbm>>
    tpu.enqueue_indirect_dma source(%dma_start3A_86 : memref<1000000x128xf32, #tpu.memory_space<hbm>>) target(%dma_start3A_81 : memref<128x128xf32, #tpu.memory_space<vmem>>) offsets(%dma_start3A_83 : memref<128xi32, #tpu.memory_space<vmem>>) semaphore(%arg12 : memref<!tpu.dma_semaphore, #tpu.memory_space<semaphore_mem>>)
    %dma_wait3A_87 = arith.constant 1 : i32
    %dma_wait3A_88 = arith.constant 0 : i32
    %dma_wait3A_89 = arith.constant 0 : i32
    %dma_wait3A_90 = tpu.memref_slice %arg6[%dma_wait3A_87, %dma_wait3A_88, %dma_wait3A_89] : memref<6x128x128xf32, #tpu.memory_space<vmem>> -> memref<1x128x128xf32, #tpu.memory_space<vmem>>
    %dma_wait3A_91 = tpu.memref_squeeze %dma_wait3A_90 : memref<1x128x128xf32, #tpu.memory_space<vmem>> -> memref<128x128xf32, #tpu.memory_space<vmem>>
    %dma_wait3A_92 = arith.constant 128 : i32
    %dma_wait3A_93 = tpu.memref_slice %arg5[%dma_wait3A_92] : memref<25600xi32, #tpu.memory_space<vmem>> -> memref<128xi32, #tpu.memory_space<vmem>>
    %dma_wait3A_94 = arith.constant 0 : i32
    %dma_wait3A_95 = arith.constant 0 : i32
    %dma_wait3A_96 = tpu.memref_slice %arg3[%dma_wait3A_94, %dma_wait3A_95] : memref<1000000x128xf32, #tpu.memory_space<hbm>> -> memref<1000000x128xf32, #tpu.memory_space<hbm>>
    tpu.wait_indirect_dma semaphore(%arg8 : memref<!tpu.dma_semaphore, #tpu.memory_space<semaphore_mem>>) src(%dma_wait3A_96 : memref<1000000x128xf32, #tpu.memory_space<hbm>>) dst(%dma_wait3A_91 : memref<128x128xf32, #tpu.memory_space<vmem>>)
    %add3A_97 = arith.constant 128 : i32
    %add3A_98 = arith.addi %mul3A_2, %add3A_97 : i32
    %multiple_of3A_99 = tpu.assume_multiple %add3A_98, 128 : i32
    %dma_start3A_100 = arith.constant 1 : i32
    %dma_start3A_101 = arith.constant 0 : i32
    %dma_start3A_102 = arith.constant 0 : i32
    %dma_start3A_103 = tpu.memref_slice %arg6[%dma_start3A_100, %dma_start3A_101, %dma_start3A_102] : memref<6x128x128xf32, #tpu.memory_space<vmem>> -> memref<1x128x128xf32, #tpu.memory_space<vmem>>
    %dma_start3A_104 = tpu.memref_squeeze %dma_start3A_103 : memref<1x128x128xf32, #tpu.memory_space<vmem>> -> memref<128x128xf32, #tpu.memory_space<vmem>>
    %dma_start3A_105 = arith.constant 0 : i32
    %dma_start3A_106 = tpu.memref_slice %arg4[%multiple_of3A_99, %dma_start3A_105] : memref<819200x128xf32, #tpu.memory_space<hbm>> -> memref<128x128xf32, #tpu.memory_space<hbm>>
    %dma_start3A_107 = arith.constant 0 : i32
    %dma_start3A_108 = tpu.memref_slice %arg4[%multiple_of3A_99, %dma_start3A_107] : memref<819200x128xf32, #tpu.memory_space<hbm>> -> memref<128x128xf32, #tpu.memory_space<hbm>>
    %dma_start3A_109 = arith.constant 0 : i32
    %dma_start3A_110 = arith.constant 0 : i32
    %dma_start3A_111 = tpu.memref_slice %arg6[%dma_start3A_100, %dma_start3A_109, %dma_start3A_110] : memref<6x128x128xf32, #tpu.memory_space<vmem>> -> memref<1x128x128xf32, #tpu.memory_space<vmem>>
    %dma_start3A_112 = tpu.memref_squeeze %dma_start3A_111 : memref<1x128x128xf32, #tpu.memory_space<vmem>> -> memref<128x128xf32, #tpu.memory_space<vmem>>
    tpu.enqueue_dma source(%dma_start3A_112 : memref<128x128xf32, #tpu.memory_space<vmem>>) target(%dma_start3A_108 : memref<128x128xf32, #tpu.memory_space<hbm>>) target_semaphore(%arg14 : memref<!tpu.dma_semaphore, #tpu.memory_space<semaphore_mem>>)
    %add3A_113 = arith.constant 0 : i32
    %add3A_114 = arith.addi %mul3A_2, %add3A_113 : i32
    %multiple_of3A_115 = tpu.assume_multiple %add3A_114, 128 : i32
    %dma_wait3A_116 = arith.constant 0 : i32
    %dma_wait3A_117 = arith.constant 0 : i32
    %dma_wait3A_118 = arith.constant 0 : i32
    %dma_wait3A_119 = tpu.memref_slice %arg6[%dma_wait3A_116, %dma_wait3A_117, %dma_wait3A_118] : memref<6x128x128xf32, #tpu.memory_space<vmem>> -> memref<1x128x128xf32, #tpu.memory_space<vmem>>
    %dma_wait3A_120 = tpu.memref_squeeze %dma_wait3A_119 : memref<1x128x128xf32, #tpu.memory_space<vmem>> -> memref<128x128xf32, #tpu.memory_space<vmem>>
    %dma_wait3A_121 = arith.constant 0 : i32
    %dma_wait3A_122 = tpu.memref_slice %arg4[%multiple_of3A_115, %dma_wait3A_121] : memref<819200x128xf32, #tpu.memory_space<hbm>> -> memref<128x128xf32, #tpu.memory_space<hbm>>
    %dma_wait3A_123 = arith.constant 0 : i32
    %dma_wait3A_124 = tpu.memref_slice %arg4[%multiple_of3A_115, %dma_wait3A_123] : memref<819200x128xf32, #tpu.memory_space<hbm>> -> memref<128x128xf32, #tpu.memory_space<hbm>>
    %dma_wait3A_125 = arith.constant 0 : i32
    %dma_wait3A_126 = arith.constant 0 : i32
    %dma_wait3A_127 = tpu.memref_slice %arg6[%dma_wait3A_116, %dma_wait3A_125, %dma_wait3A_126] : memref<6x128x128xf32, #tpu.memory_space<vmem>> -> memref<1x128x128xf32, #tpu.memory_space<vmem>>
    %dma_wait3A_128 = tpu.memref_squeeze %dma_wait3A_127 : memref<1x128x128xf32, #tpu.memory_space<vmem>> -> memref<128x128xf32, #tpu.memory_space<vmem>>
    tpu.wait_dma2 semaphore(%arg13 : memref<!tpu.dma_semaphore, #tpu.memory_space<semaphore_mem>>) src(%dma_wait3A_128 : memref<128x128xf32, #tpu.memory_space<vmem>>) dst(%dma_wait3A_124 : memref<128x128xf32, #tpu.memory_space<hbm>>)
    %dma_start3A_129 = arith.constant 0 : i32
    %dma_start3A_130 = arith.constant 0 : i32
    %dma_start3A_131 = arith.constant 0 : i32
    %dma_start3A_132 = tpu.memref_slice %arg6[%dma_start3A_129, %dma_start3A_130, %dma_start3A_131] : memref<6x128x128xf32, #tpu.memory_space<vmem>> -> memref<1x128x128xf32, #tpu.memory_space<vmem>>
    %dma_start3A_133 = tpu.memref_squeeze %dma_start3A_132 : memref<1x128x128xf32, #tpu.memory_space<vmem>> -> memref<128x128xf32, #tpu.memory_space<vmem>>
    %dma_start3A_134 = arith.constant 768 : i32
    %dma_start3A_135 = tpu.memref_slice %arg5[%dma_start3A_134] : memref<25600xi32, #tpu.memory_space<vmem>> -> memref<128xi32, #tpu.memory_space<vmem>>
    %dma_start3A_136 = arith.constant 0 : i32
    %dma_start3A_137 = arith.constant 0 : i32
    %dma_start3A_138 = tpu.memref_slice %arg3[%dma_start3A_136, %dma_start3A_137] : memref<1000000x128xf32, #tpu.memory_space<hbm>> -> memref<1000000x128xf32, #tpu.memory_space<hbm>>
    tpu.enqueue_indirect_dma source(%dma_start3A_138 : memref<1000000x128xf32, #tpu.memory_space<hbm>>) target(%dma_start3A_133 : memref<128x128xf32, #tpu.memory_space<vmem>>) offsets(%dma_start3A_135 : memref<128xi32, #tpu.memory_space<vmem>>) semaphore(%arg7 : memref<!tpu.dma_semaphore, #tpu.memory_space<semaphore_mem>>)
    %dma_wait3A_139 = arith.constant 2 : i32
    %dma_wait3A_140 = arith.constant 0 : i32
    %dma_wait3A_141 = arith.constant 0 : i32
    %dma_wait3A_142 = tpu.memref_slice %arg6[%dma_wait3A_139, %dma_wait3A_140, %dma_wait3A_141] : memref<6x128x128xf32, #tpu.memory_space<vmem>> -> memref<1x128x128xf32, #tpu.memory_space<vmem>>
    %dma_wait3A_143 = tpu.memref_squeeze %dma_wait3A_142 : memref<1x128x128xf32, #tpu.memory_space<vmem>> -> memref<128x128xf32, #tpu.memory_space<vmem>>
    %dma_wait3A_144 = arith.constant 256 : i32
    %dma_wait3A_145 = tpu.memref_slice %arg5[%dma_wait3A_144] : memref<25600xi32, #tpu.memory_space<vmem>> -> memref<128xi32, #tpu.memory_space<vmem>>
    %dma_wait3A_146 = arith.constant 0 : i32
    %dma_wait3A_147 = arith.constant 0 : i32
    %dma_wait3A_148 = tpu.memref_slice %arg3[%dma_wait3A_146, %dma_wait3A_147] : memref<1000000x128xf32, #tpu.memory_space<hbm>> -> memref<1000000x128xf32, #tpu.memory_space<hbm>>
    tpu.wait_indirect_dma semaphore(%arg9 : memref<!tpu.dma_semaphore, #tpu.memory_space<semaphore_mem>>) src(%dma_wait3A_148 : memref<1000000x128xf32, #tpu.memory_space<hbm>>) dst(%dma_wait3A_143 : memref<128x128xf32, #tpu.memory_space<vmem>>)
    %add3A_149 = arith.constant 256 : i32
    %add3A_150 = arith.addi %mul3A_2, %add3A_149 : i32
    %multiple_of3A_151 = tpu.assume_multiple %add3A_150, 128 : i32
    %dma_start3A_152 = arith.constant 2 : i32
    %dma_start3A_153 = arith.constant 0 : i32
    %dma_start3A_154 = arith.constant 0 : i32
    %dma_start3A_155 = tpu.memref_slice %arg6[%dma_start3A_152, %dma_start3A_153, %dma_start3A_154] : memref<6x128x128xf32, #tpu.memory_space<vmem>> -> memref<1x128x128xf32, #tpu.memory_space<vmem>>
    %dma_start3A_156 = tpu.memref_squeeze %dma_start3A_155 : memref<1x128x128xf32, #tpu.memory_space<vmem>> -> memref<128x128xf32, #tpu.memory_space<vmem>>
    %dma_start3A_157 = arith.constant 0 : i32
    %dma_start3A_158 = tpu.memref_slice %arg4[%multiple_of3A_151, %dma_start3A_157] : memref<819200x128xf32, #tpu.memory_space<hbm>> -> memref<128x128xf32, #tpu.memory_space<hbm>>
    %dma_start3A_159 = arith.constant 0 : i32
    %dma_start3A_160 = tpu.memref_slice %arg4[%multiple_of3A_151, %dma_start3A_159] : memref<819200x128xf32, #tpu.memory_space<hbm>> -> memref<128x128xf32, #tpu.memory_space<hbm>>
    %dma_start3A_161 = arith.constant 0 : i32
    %dma_start3A_162 = arith.constant 0 : i32
    %dma_start3A_163 = tpu.memref_slice %arg6[%dma_start3A_152, %dma_start3A_161, %dma_start3A_162] : memref<6x128x128xf32, #tpu.memory_space<vmem>> -> memref<1x128x128xf32, #tpu.memory_space<vmem>>
    %dma_start3A_164 = tpu.memref_squeeze %dma_start3A_163 : memref<1x128x128xf32, #tpu.memory_space<vmem>> -> memref<128x128xf32, #tpu.memory_space<vmem>>
    tpu.enqueue_dma source(%dma_start3A_164 : memref<128x128xf32, #tpu.memory_space<vmem>>) target(%dma_start3A_160 : memref<128x128xf32, #tpu.memory_space<hbm>>) target_semaphore(%arg15 : memref<!tpu.dma_semaphore, #tpu.memory_space<semaphore_mem>>)
    %add3A_165 = arith.constant 128 : i32
    %add3A_166 = arith.addi %mul3A_2, %add3A_165 : i32
    %multiple_of3A_167 = tpu.assume_multiple %add3A_166, 128 : i32
    %dma_wait3A_168 = arith.constant 1 : i32
    %dma_wait3A_169 = arith.constant 0 : i32
    %dma_wait3A_170 = arith.constant 0 : i32
    %dma_wait3A_171 = tpu.memref_slice %arg6[%dma_wait3A_168, %dma_wait3A_169, %dma_wait3A_170] : memref<6x128x128xf32, #tpu.memory_space<vmem>> -> memref<1x128x128xf32, #tpu.memory_space<vmem>>
    %dma_wait3A_172 = tpu.memref_squeeze %dma_wait3A_171 : memref<1x128x128xf32, #tpu.memory_space<vmem>> -> memref<128x128xf32, #tpu.memory_space<vmem>>
    %dma_wait3A_173 = arith.constant 0 : i32
    %dma_wait3A_174 = tpu.memref_slice %arg4[%multiple_of3A_167, %dma_wait3A_173] : memref<819200x128xf32, #tpu.memory_space<hbm>> -> memref<128x128xf32, #tpu.memory_space<hbm>>
    %dma_wait3A_175 = arith.constant 0 : i32
    %dma_wait3A_176 = tpu.memref_slice %arg4[%multiple_of3A_167, %dma_wait3A_175] : memref<819200x128xf32, #tpu.memory_space<hbm>> -> memref<128x128xf32, #tpu.memory_space<hbm>>
    %dma_wait3A_177 = arith.constant 0 : i32
    %dma_wait3A_178 = arith.constant 0 : i32
    %dma_wait3A_179 = tpu.memref_slice %arg6[%dma_wait3A_168, %dma_wait3A_177, %dma_wait3A_178] : memref<6x128x128xf32, #tpu.memory_space<vmem>> -> memref<1x128x128xf32, #tpu.memory_space<vmem>>
    %dma_wait3A_180 = tpu.memref_squeeze %dma_wait3A_179 : memref<1x128x128xf32, #tpu.memory_space<vmem>> -> memref<128x128xf32, #tpu.memory_space<vmem>>
    tpu.wait_dma2 semaphore(%arg14 : memref<!tpu.dma_semaphore, #tpu.memory_space<semaphore_mem>>) src(%dma_wait3A_180 : memref<128x128xf32, #tpu.memory_space<vmem>>) dst(%dma_wait3A_176 : memref<128x128xf32, #tpu.memory_space<hbm>>)
    %dma_start3A_181 = arith.constant 1 : i32
    %dma_start3A_182 = arith.constant 0 : i32
    %dma_start3A_183 = arith.constant 0 : i32
    %dma_start3A_184 = tpu.memref_slice %arg6[%dma_start3A_181, %dma_start3A_182, %dma_start3A_183] : memref<6x128x128xf32, #tpu.memory_space<vmem>> -> memref<1x128x128xf32, #tpu.memory_space<vmem>>
    %dma_start3A_185 = tpu.memref_squeeze %dma_start3A_184 : memref<1x128x128xf32, #tpu.memory_space<vmem>> -> memref<128x128xf32, #tpu.memory_space<vmem>>
    %dma_start3A_186 = arith.constant 896 : i32
    %dma_start3A_187 = tpu.memref_slice %arg5[%dma_start3A_186] : memref<25600xi32, #tpu.memory_space<vmem>> -> memref<128xi32, #tpu.memory_space<vmem>>
    %dma_start3A_188 = arith.constant 0 : i32
    %dma_start3A_189 = arith.constant 0 : i32
    %dma_start3A_190 = tpu.memref_slice %arg3[%dma_start3A_188, %dma_start3A_189] : memref<1000000x128xf32, #tpu.memory_space<hbm>> -> memref<1000000x128xf32, #tpu.memory_space<hbm>>
    tpu.enqueue_indirect_dma source(%dma_start3A_190 : memref<1000000x128xf32, #tpu.memory_space<hbm>>) target(%dma_start3A_185 : memref<128x128xf32, #tpu.memory_space<vmem>>) offsets(%dma_start3A_187 : memref<128xi32, #tpu.memory_space<vmem>>) semaphore(%arg8 : memref<!tpu.dma_semaphore, #tpu.memory_space<semaphore_mem>>)
    %dma_wait3A_191 = arith.constant 3 : i32
    %dma_wait3A_192 = arith.constant 0 : i32
    %dma_wait3A_193 = arith.constant 0 : i32
    %dma_wait3A_194 = tpu.memref_slice %arg6[%dma_wait3A_191, %dma_wait3A_192, %dma_wait3A_193] : memref<6x128x128xf32, #tpu.memory_space<vmem>> -> memref<1x128x128xf32, #tpu.memory_space<vmem>>
    %dma_wait3A_195 = tpu.memref_squeeze %dma_wait3A_194 : memref<1x128x128xf32, #tpu.memory_space<vmem>> -> memref<128x128xf32, #tpu.memory_space<vmem>>
    %dma_wait3A_196 = arith.constant 384 : i32
    %dma_wait3A_197 = tpu.memref_slice %arg5[%dma_wait3A_196] : memref<25600xi32, #tpu.memory_space<vmem>> -> memref<128xi32, #tpu.memory_space<vmem>>
    %dma_wait3A_198 = arith.constant 0 : i32
    %dma_wait3A_199 = arith.constant 0 : i32
    %dma_wait3A_200 = tpu.memref_slice %arg3[%dma_wait3A_198, %dma_wait3A_199] : memref<1000000x128xf32, #tpu.memory_space<hbm>> -> memref<1000000x128xf32, #tpu.memory_space<hbm>>
    tpu.wait_indirect_dma semaphore(%arg10 : memref<!tpu.dma_semaphore, #tpu.memory_space<semaphore_mem>>) src(%dma_wait3A_200 : memref<1000000x128xf32, #tpu.memory_space<hbm>>) dst(%dma_wait3A_195 : memref<128x128xf32, #tpu.memory_space<vmem>>)
    %add3A_201 = arith.constant 384 : i32
    %add3A_202 = arith.addi %mul3A_2, %add3A_201 : i32
    %multiple_of3A_203 = tpu.assume_multiple %add3A_202, 128 : i32
    %dma_start3A_204 = arith.constant 3 : i32
    %dma_start3A_205 = arith.constant 0 : i32
    %dma_start3A_206 = arith.constant 0 : i32
    %dma_start3A_207 = tpu.memref_slice %arg6[%dma_start3A_204, %dma_start3A_205, %dma_start3A_206] : memref<6x128x128xf32, #tpu.memory_space<vmem>> -> memref<1x128x128xf32, #tpu.memory_space<vmem>>
    %dma_start3A_208 = tpu.memref_squeeze %dma_start3A_207 : memref<1x128x128xf32, #tpu.memory_space<vmem>> -> memref<128x128xf32, #tpu.memory_space<vmem>>
    %dma_start3A_209 = arith.constant 0 : i32
    %dma_start3A_210 = tpu.memref_slice %arg4[%multiple_of3A_203, %dma_start3A_209] : memref<819200x128xf32, #tpu.memory_space<hbm>> -> memref<128x128xf32, #tpu.memory_space<hbm>>
    %dma_start3A_211 = arith.constant 0 : i32
    %dma_start3A_212 = tpu.memref_slice %arg4[%multiple_of3A_203, %dma_start3A_211] : memref<819200x128xf32, #tpu.memory_space<hbm>> -> memref<128x128xf32, #tpu.memory_space<hbm>>
    %dma_start3A_213 = arith.constant 0 : i32
    %dma_start3A_214 = arith.constant 0 : i32
    %dma_start3A_215 = tpu.memref_slice %arg6[%dma_start3A_204, %dma_start3A_213, %dma_start3A_214] : memref<6x128x128xf32, #tpu.memory_space<vmem>> -> memref<1x128x128xf32, #tpu.memory_space<vmem>>
    %dma_start3A_216 = tpu.memref_squeeze %dma_start3A_215 : memref<1x128x128xf32, #tpu.memory_space<vmem>> -> memref<128x128xf32, #tpu.memory_space<vmem>>
    tpu.enqueue_dma source(%dma_start3A_216 : memref<128x128xf32, #tpu.memory_space<vmem>>) target(%dma_start3A_212 : memref<128x128xf32, #tpu.memory_space<hbm>>) target_semaphore(%arg16 : memref<!tpu.dma_semaphore, #tpu.memory_space<semaphore_mem>>)
    %scan3A = arith.constant 0 : i32
    %scan3A_217 = arith.constant 0 : i32
    %scan3A_218 = arith.constant 32 : i32
    %scan3A_219 = arith.addi %scan3A_217, %scan3A_218 : i32
    %scan3A_220 = arith.constant 1 : i32
    scf.for %scan3A_422 = %scan3A_217 to %scan3A_219 step %scan3A_220  : i32 {
      %mul3A_423 = arith.constant 6 : i32
      %mul3A_424 = arith.muli %scan3A_422, %mul3A_423 : i32
      %add3A_425 = arith.constant 4 : i32
      %add3A_426 = arith.addi %add3A_425, %mul3A_424 : i32
      %add3A_427 = arith.constant 0 : i32
      %add3A_428 = arith.addi %add3A_426, %add3A_427 : i32
      %add3A_429 = arith.constant 4 : i32
      %add3A_430 = arith.addi %add3A_428, %add3A_429 : i32
      %sub3A = arith.constant 6 : i32
      %sub3A_431 = arith.subi %add3A_430, %sub3A : i32
      %mul3A_432 = arith.constant 128 : i32
      %mul3A_433 = arith.muli %sub3A_431, %mul3A_432 : i32
      %add3A_434 = arith.addi %mul3A_2, %mul3A_433 : i32
      %multiple_of3A_435 = tpu.assume_multiple %add3A_434, 128 : i32
      %dma_wait3A_436 = arith.constant 2 : i32
      %dma_wait3A_437 = arith.constant 0 : i32
      %dma_wait3A_438 = arith.constant 0 : i32
      %dma_wait3A_439 = tpu.memref_slice %arg6[%dma_wait3A_436, %dma_wait3A_437, %dma_wait3A_438] : memref<6x128x128xf32, #tpu.memory_space<vmem>> -> memref<1x128x128xf32, #tpu.memory_space<vmem>>
      %dma_wait3A_440 = tpu.memref_squeeze %dma_wait3A_439 : memref<1x128x128xf32, #tpu.memory_space<vmem>> -> memref<128x128xf32, #tpu.memory_space<vmem>>
      %dma_wait3A_441 = arith.constant 0 : i32
      %dma_wait3A_442 = tpu.memref_slice %arg4[%multiple_of3A_435, %dma_wait3A_441] : memref<819200x128xf32, #tpu.memory_space<hbm>> -> memref<128x128xf32, #tpu.memory_space<hbm>>
      %dma_wait3A_443 = arith.constant 0 : i32
      %dma_wait3A_444 = tpu.memref_slice %arg4[%multiple_of3A_435, %dma_wait3A_443] : memref<819200x128xf32, #tpu.memory_space<hbm>> -> memref<128x128xf32, #tpu.memory_space<hbm>>
      %dma_wait3A_445 = arith.constant 0 : i32
      %dma_wait3A_446 = arith.constant 0 : i32
      %dma_wait3A_447 = tpu.memref_slice %arg6[%dma_wait3A_436, %dma_wait3A_445, %dma_wait3A_446] : memref<6x128x128xf32, #tpu.memory_space<vmem>> -> memref<1x128x128xf32, #tpu.memory_space<vmem>>
      %dma_wait3A_448 = tpu.memref_squeeze %dma_wait3A_447 : memref<1x128x128xf32, #tpu.memory_space<vmem>> -> memref<128x128xf32, #tpu.memory_space<vmem>>
      tpu.wait_dma2 semaphore(%arg15 : memref<!tpu.dma_semaphore, #tpu.memory_space<semaphore_mem>>) src(%dma_wait3A_448 : memref<128x128xf32, #tpu.memory_space<vmem>>) dst(%dma_wait3A_444 : memref<128x128xf32, #tpu.memory_space<hbm>>)
      %add3A_449 = arith.constant 4 : i32
      %add3A_450 = arith.addi %add3A_428, %add3A_449 : i32
      %mul3A_451 = arith.constant 128 : i32
      %mul3A_452 = arith.muli %add3A_450, %mul3A_451 : i32
      %dma_start3A_453 = arith.constant 2 : i32
      %dma_start3A_454 = arith.constant 0 : i32
      %dma_start3A_455 = arith.constant 0 : i32
      %dma_start3A_456 = tpu.memref_slice %arg6[%dma_start3A_453, %dma_start3A_454, %dma_start3A_455] : memref<6x128x128xf32, #tpu.memory_space<vmem>> -> memref<1x128x128xf32, #tpu.memory_space<vmem>>
      %dma_start3A_457 = tpu.memref_squeeze %dma_start3A_456 : memref<1x128x128xf32, #tpu.memory_space<vmem>> -> memref<128x128xf32, #tpu.memory_space<vmem>>
      %dma_start3A_458 = tpu.memref_slice %arg5[%mul3A_452] : memref<25600xi32, #tpu.memory_space<vmem>> -> memref<128xi32, #tpu.memory_space<vmem>>
      %dma_start3A_459 = arith.constant 0 : i32
      %dma_start3A_460 = arith.constant 0 : i32
      %dma_start3A_461 = tpu.memref_slice %arg3[%dma_start3A_459, %dma_start3A_460] : memref<1000000x128xf32, #tpu.memory_space<hbm>> -> memref<1000000x128xf32, #tpu.memory_space<hbm>>
      tpu.enqueue_indirect_dma source(%dma_start3A_461 : memref<1000000x128xf32, #tpu.memory_space<hbm>>) target(%dma_start3A_457 : memref<128x128xf32, #tpu.memory_space<vmem>>) offsets(%dma_start3A_458 : memref<128xi32, #tpu.memory_space<vmem>>) semaphore(%arg9 : memref<!tpu.dma_semaphore, #tpu.memory_space<semaphore_mem>>)
      %mul3A_462 = arith.constant 128 : i32
      %mul3A_463 = arith.muli %add3A_428, %mul3A_462 : i32
      %dma_wait3A_464 = arith.constant 4 : i32
      %dma_wait3A_465 = arith.constant 0 : i32
      %dma_wait3A_466 = arith.constant 0 : i32
      %dma_wait3A_467 = tpu.memref_slice %arg6[%dma_wait3A_464, %dma_wait3A_465, %dma_wait3A_466] : memref<6x128x128xf32, #tpu.memory_space<vmem>> -> memref<1x128x128xf32, #tpu.memory_space<vmem>>
      %dma_wait3A_468 = tpu.memref_squeeze %dma_wait3A_467 : memref<1x128x128xf32, #tpu.memory_space<vmem>> -> memref<128x128xf32, #tpu.memory_space<vmem>>
      %dma_wait3A_469 = tpu.memref_slice %arg5[%mul3A_463] : memref<25600xi32, #tpu.memory_space<vmem>> -> memref<128xi32, #tpu.memory_space<vmem>>
      %dma_wait3A_470 = arith.constant 0 : i32
      %dma_wait3A_471 = arith.constant 0 : i32
      %dma_wait3A_472 = tpu.memref_slice %arg3[%dma_wait3A_470, %dma_wait3A_471] : memref<1000000x128xf32, #tpu.memory_space<hbm>> -> memref<1000000x128xf32, #tpu.memory_space<hbm>>
      tpu.wait_indirect_dma semaphore(%arg11 : memref<!tpu.dma_semaphore, #tpu.memory_space<semaphore_mem>>) src(%dma_wait3A_472 : memref<1000000x128xf32, #tpu.memory_space<hbm>>) dst(%dma_wait3A_468 : memref<128x128xf32, #tpu.memory_space<vmem>>)
      %mul3A_473 = arith.constant 128 : i32
      %mul3A_474 = arith.muli %add3A_428, %mul3A_473 : i32
      %add3A_475 = arith.addi %mul3A_2, %mul3A_474 : i32
      %multiple_of3A_476 = tpu.assume_multiple %add3A_475, 128 : i32
      %dma_start3A_477 = arith.constant 4 : i32
      %dma_start3A_478 = arith.constant 0 : i32
      %dma_start3A_479 = arith.constant 0 : i32
      %dma_start3A_480 = tpu.memref_slice %arg6[%dma_start3A_477, %dma_start3A_478, %dma_start3A_479] : memref<6x128x128xf32, #tpu.memory_space<vmem>> -> memref<1x128x128xf32, #tpu.memory_space<vmem>>
      %dma_start3A_481 = tpu.memref_squeeze %dma_start3A_480 : memref<1x128x128xf32, #tpu.memory_space<vmem>> -> memref<128x128xf32, #tpu.memory_space<vmem>>
      %dma_start3A_482 = arith.constant 0 : i32
      %dma_start3A_483 = tpu.memref_slice %arg4[%multiple_of3A_476, %dma_start3A_482] : memref<819200x128xf32, #tpu.memory_space<hbm>> -> memref<128x128xf32, #tpu.memory_space<hbm>>
      %dma_start3A_484 = arith.constant 0 : i32
      %dma_start3A_485 = tpu.memref_slice %arg4[%multiple_of3A_476, %dma_start3A_484] : memref<819200x128xf32, #tpu.memory_space<hbm>> -> memref<128x128xf32, #tpu.memory_space<hbm>>
      %dma_start3A_486 = arith.constant 0 : i32
      %dma_start3A_487 = arith.constant 0 : i32
      %dma_start3A_488 = tpu.memref_slice %arg6[%dma_start3A_477, %dma_start3A_486, %dma_start3A_487] : memref<6x128x128xf32, #tpu.memory_space<vmem>> -> memref<1x128x128xf32, #tpu.memory_space<vmem>>
      %dma_start3A_489 = tpu.memref_squeeze %dma_start3A_488 : memref<1x128x128xf32, #tpu.memory_space<vmem>> -> memref<128x128xf32, #tpu.memory_space<vmem>>
      tpu.enqueue_dma source(%dma_start3A_489 : memref<128x128xf32, #tpu.memory_space<vmem>>) target(%dma_start3A_485 : memref<128x128xf32, #tpu.memory_space<hbm>>) target_semaphore(%arg17 : memref<!tpu.dma_semaphore, #tpu.memory_space<semaphore_mem>>)
      %add3A_490 = arith.constant 1 : i32
      %add3A_491 = arith.addi %add3A_426, %add3A_490 : i32
      %add3A_492 = arith.constant 4 : i32
      %add3A_493 = arith.addi %add3A_491, %add3A_492 : i32
      %sub3A_494 = arith.constant 6 : i32
      %sub3A_495 = arith.subi %add3A_493, %sub3A_494 : i32
      %mul3A_496 = arith.constant 128 : i32
      %mul3A_497 = arith.muli %sub3A_495, %mul3A_496 : i32
      %add3A_498 = arith.addi %mul3A_2, %mul3A_497 : i32
      %multiple_of3A_499 = tpu.assume_multiple %add3A_498, 128 : i32
      %dma_wait3A_500 = arith.constant 3 : i32
      %dma_wait3A_501 = arith.constant 0 : i32
      %dma_wait3A_502 = arith.constant 0 : i32
      %dma_wait3A_503 = tpu.memref_slice %arg6[%dma_wait3A_500, %dma_wait3A_501, %dma_wait3A_502] : memref<6x128x128xf32, #tpu.memory_space<vmem>> -> memref<1x128x128xf32, #tpu.memory_space<vmem>>
      %dma_wait3A_504 = tpu.memref_squeeze %dma_wait3A_503 : memref<1x128x128xf32, #tpu.memory_space<vmem>> -> memref<128x128xf32, #tpu.memory_space<vmem>>
      %dma_wait3A_505 = arith.constant 0 : i32
      %dma_wait3A_506 = tpu.memref_slice %arg4[%multiple_of3A_499, %dma_wait3A_505] : memref<819200x128xf32, #tpu.memory_space<hbm>> -> memref<128x128xf32, #tpu.memory_space<hbm>>
      %dma_wait3A_507 = arith.constant 0 : i32
      %dma_wait3A_508 = tpu.memref_slice %arg4[%multiple_of3A_499, %dma_wait3A_507] : memref<819200x128xf32, #tpu.memory_space<hbm>> -> memref<128x128xf32, #tpu.memory_space<hbm>>
      %dma_wait3A_509 = arith.constant 0 : i32
      %dma_wait3A_510 = arith.constant 0 : i32
      %dma_wait3A_511 = tpu.memref_slice %arg6[%dma_wait3A_500, %dma_wait3A_509, %dma_wait3A_510] : memref<6x128x128xf32, #tpu.memory_space<vmem>> -> memref<1x128x128xf32, #tpu.memory_space<vmem>>
      %dma_wait3A_512 = tpu.memref_squeeze %dma_wait3A_511 : memref<1x128x128xf32, #tpu.memory_space<vmem>> -> memref<128x128xf32, #tpu.memory_space<vmem>>
      tpu.wait_dma2 semaphore(%arg16 : memref<!tpu.dma_semaphore, #tpu.memory_space<semaphore_mem>>) src(%dma_wait3A_512 : memref<128x128xf32, #tpu.memory_space<vmem>>) dst(%dma_wait3A_508 : memref<128x128xf32, #tpu.memory_space<hbm>>)
      %add3A_513 = arith.constant 4 : i32
      %add3A_514 = arith.addi %add3A_491, %add3A_513 : i32
      %mul3A_515 = arith.constant 128 : i32
      %mul3A_516 = arith.muli %add3A_514, %mul3A_515 : i32
      %dma_start3A_517 = arith.constant 3 : i32
      %dma_start3A_518 = arith.constant 0 : i32
      %dma_start3A_519 = arith.constant 0 : i32
      %dma_start3A_520 = tpu.memref_slice %arg6[%dma_start3A_517, %dma_start3A_518, %dma_start3A_519] : memref<6x128x128xf32, #tpu.memory_space<vmem>> -> memref<1x128x128xf32, #tpu.memory_space<vmem>>
      %dma_start3A_521 = tpu.memref_squeeze %dma_start3A_520 : memref<1x128x128xf32, #tpu.memory_space<vmem>> -> memref<128x128xf32, #tpu.memory_space<vmem>>
      %dma_start3A_522 = tpu.memref_slice %arg5[%mul3A_516] : memref<25600xi32, #tpu.memory_space<vmem>> -> memref<128xi32, #tpu.memory_space<vmem>>
      %dma_start3A_523 = arith.constant 0 : i32
      %dma_start3A_524 = arith.constant 0 : i32
      %dma_start3A_525 = tpu.memref_slice %arg3[%dma_start3A_523, %dma_start3A_524] : memref<1000000x128xf32, #tpu.memory_space<hbm>> -> memref<1000000x128xf32, #tpu.memory_space<hbm>>
      tpu.enqueue_indirect_dma source(%dma_start3A_525 : memref<1000000x128xf32, #tpu.memory_space<hbm>>) target(%dma_start3A_521 : memref<128x128xf32, #tpu.memory_space<vmem>>) offsets(%dma_start3A_522 : memref<128xi32, #tpu.memory_space<vmem>>) semaphore(%arg10 : memref<!tpu.dma_semaphore, #tpu.memory_space<semaphore_mem>>)
      %mul3A_526 = arith.constant 128 : i32
      %mul3A_527 = arith.muli %add3A_491, %mul3A_526 : i32
      %dma_wait3A_528 = arith.constant 5 : i32
      %dma_wait3A_529 = arith.constant 0 : i32
      %dma_wait3A_530 = arith.constant 0 : i32
      %dma_wait3A_531 = tpu.memref_slice %arg6[%dma_wait3A_528, %dma_wait3A_529, %dma_wait3A_530] : memref<6x128x128xf32, #tpu.memory_space<vmem>> -> memref<1x128x128xf32, #tpu.memory_space<vmem>>
      %dma_wait3A_532 = tpu.memref_squeeze %dma_wait3A_531 : memref<1x128x128xf32, #tpu.memory_space<vmem>> -> memref<128x128xf32, #tpu.memory_space<vmem>>
      %dma_wait3A_533 = tpu.memref_slice %arg5[%mul3A_527] : memref<25600xi32, #tpu.memory_space<vmem>> -> memref<128xi32, #tpu.memory_space<vmem>>
      %dma_wait3A_534 = arith.constant 0 : i32
      %dma_wait3A_535 = arith.constant 0 : i32
      %dma_wait3A_536 = tpu.memref_slice %arg3[%dma_wait3A_534, %dma_wait3A_535] : memref<1000000x128xf32, #tpu.memory_space<hbm>> -> memref<1000000x128xf32, #tpu.memory_space<hbm>>
      tpu.wait_indirect_dma semaphore(%arg12 : memref<!tpu.dma_semaphore, #tpu.memory_space<semaphore_mem>>) src(%dma_wait3A_536 : memref<1000000x128xf32, #tpu.memory_space<hbm>>) dst(%dma_wait3A_532 : memref<128x128xf32, #tpu.memory_space<vmem>>)
      %mul3A_537 = arith.constant 128 : i32
      %mul3A_538 = arith.muli %add3A_491, %mul3A_537 : i32
      %add3A_539 = arith.addi %mul3A_2, %mul3A_538 : i32
      %multiple_of3A_540 = tpu.assume_multiple %add3A_539, 128 : i32
      %dma_start3A_541 = arith.constant 5 : i32
      %dma_start3A_542 = arith.constant 0 : i32
      %dma_start3A_543 = arith.constant 0 : i32
      %dma_start3A_544 = tpu.memref_slice %arg6[%dma_start3A_541, %dma_start3A_542, %dma_start3A_543] : memref<6x128x128xf32, #tpu.memory_space<vmem>> -> memref<1x128x128xf32, #tpu.memory_space<vmem>>
      %dma_start3A_545 = tpu.memref_squeeze %dma_start3A_544 : memref<1x128x128xf32, #tpu.memory_space<vmem>> -> memref<128x128xf32, #tpu.memory_space<vmem>>
      %dma_start3A_546 = arith.constant 0 : i32
      %dma_start3A_547 = tpu.memref_slice %arg4[%multiple_of3A_540, %dma_start3A_546] : memref<819200x128xf32, #tpu.memory_space<hbm>> -> memref<128x128xf32, #tpu.memory_space<hbm>>
      %dma_start3A_548 = arith.constant 0 : i32
      %dma_start3A_549 = tpu.memref_slice %arg4[%multiple_of3A_540, %dma_start3A_548] : memref<819200x128xf32, #tpu.memory_space<hbm>> -> memref<128x128xf32, #tpu.memory_space<hbm>>
      %dma_start3A_550 = arith.constant 0 : i32
      %dma_start3A_551 = arith.constant 0 : i32
      %dma_start3A_552 = tpu.memref_slice %arg6[%dma_start3A_541, %dma_start3A_550, %dma_start3A_551] : memref<6x128x128xf32, #tpu.memory_space<vmem>> -> memref<1x128x128xf32, #tpu.memory_space<vmem>>
      %dma_start3A_553 = tpu.memref_squeeze %dma_start3A_552 : memref<1x128x128xf32, #tpu.memory_space<vmem>> -> memref<128x128xf32, #tpu.memory_space<vmem>>
      tpu.enqueue_dma source(%dma_start3A_553 : memref<128x128xf32, #tpu.memory_space<vmem>>) target(%dma_start3A_549 : memref<128x128xf32, #tpu.memory_space<hbm>>) target_semaphore(%arg18 : memref<!tpu.dma_semaphore, #tpu.memory_space<semaphore_mem>>)
      %add3A_554 = arith.constant 2 : i32
      %add3A_555 = arith.addi %add3A_426, %add3A_554 : i32
      %add3A_556 = arith.constant 4 : i32
      %add3A_557 = arith.addi %add3A_555, %add3A_556 : i32
      %sub3A_558 = arith.constant 6 : i32
      %sub3A_559 = arith.subi %add3A_557, %sub3A_558 : i32
      %mul3A_560 = arith.constant 128 : i32
      %mul3A_561 = arith.muli %sub3A_559, %mul3A_560 : i32
      %add3A_562 = arith.addi %mul3A_2, %mul3A_561 : i32
      %multiple_of3A_563 = tpu.assume_multiple %add3A_562, 128 : i32
      %dma_wait3A_564 = arith.constant 4 : i32
      %dma_wait3A_565 = arith.constant 0 : i32
      %dma_wait3A_566 = arith.constant 0 : i32
      %dma_wait3A_567 = tpu.memref_slice %arg6[%dma_wait3A_564, %dma_wait3A_565, %dma_wait3A_566] : memref<6x128x128xf32, #tpu.memory_space<vmem>> -> memref<1x128x128xf32, #tpu.memory_space<vmem>>
      %dma_wait3A_568 = tpu.memref_squeeze %dma_wait3A_567 : memref<1x128x128xf32, #tpu.memory_space<vmem>> -> memref<128x128xf32, #tpu.memory_space<vmem>>
      %dma_wait3A_569 = arith.constant 0 : i32
      %dma_wait3A_570 = tpu.memref_slice %arg4[%multiple_of3A_563, %dma_wait3A_569] : memref<819200x128xf32, #tpu.memory_space<hbm>> -> memref<128x128xf32, #tpu.memory_space<hbm>>
      %dma_wait3A_571 = arith.constant 0 : i32
      %dma_wait3A_572 = tpu.memref_slice %arg4[%multiple_of3A_563, %dma_wait3A_571] : memref<819200x128xf32, #tpu.memory_space<hbm>> -> memref<128x128xf32, #tpu.memory_space<hbm>>
      %dma_wait3A_573 = arith.constant 0 : i32
      %dma_wait3A_574 = arith.constant 0 : i32
      %dma_wait3A_575 = tpu.memref_slice %arg6[%dma_wait3A_564, %dma_wait3A_573, %dma_wait3A_574] : memref<6x128x128xf32, #tpu.memory_space<vmem>> -> memref<1x128x128xf32, #tpu.memory_space<vmem>>
      %dma_wait3A_576 = tpu.memref_squeeze %dma_wait3A_575 : memref<1x128x128xf32, #tpu.memory_space<vmem>> -> memref<128x128xf32, #tpu.memory_space<vmem>>
      tpu.wait_dma2 semaphore(%arg17 : memref<!tpu.dma_semaphore, #tpu.memory_space<semaphore_mem>>) src(%dma_wait3A_576 : memref<128x128xf32, #tpu.memory_space<vmem>>) dst(%dma_wait3A_572 : memref<128x128xf32, #tpu.memory_space<hbm>>)
      %add3A_577 = arith.constant 4 : i32
      %add3A_578 = arith.addi %add3A_555, %add3A_577 : i32
      %mul3A_579 = arith.constant 128 : i32
      %mul3A_580 = arith.muli %add3A_578, %mul3A_579 : i32
      %dma_start3A_581 = arith.constant 4 : i32
      %dma_start3A_582 = arith.constant 0 : i32
      %dma_start3A_583 = arith.constant 0 : i32
      %dma_start3A_584 = tpu.memref_slice %arg6[%dma_start3A_581, %dma_start3A_582, %dma_start3A_583] : memref<6x128x128xf32, #tpu.memory_space<vmem>> -> memref<1x128x128xf32, #tpu.memory_space<vmem>>
      %dma_start3A_585 = tpu.memref_squeeze %dma_start3A_584 : memref<1x128x128xf32, #tpu.memory_space<vmem>> -> memref<128x128xf32, #tpu.memory_space<vmem>>
      %dma_start3A_586 = tpu.memref_slice %arg5[%mul3A_580] : memref<25600xi32, #tpu.memory_space<vmem>> -> memref<128xi32, #tpu.memory_space<vmem>>
      %dma_start3A_587 = arith.constant 0 : i32
      %dma_start3A_588 = arith.constant 0 : i32
      %dma_start3A_589 = tpu.memref_slice %arg3[%dma_start3A_587, %dma_start3A_588] : memref<1000000x128xf32, #tpu.memory_space<hbm>> -> memref<1000000x128xf32, #tpu.memory_space<hbm>>
      tpu.enqueue_indirect_dma source(%dma_start3A_589 : memref<1000000x128xf32, #tpu.memory_space<hbm>>) target(%dma_start3A_585 : memref<128x128xf32, #tpu.memory_space<vmem>>) offsets(%dma_start3A_586 : memref<128xi32, #tpu.memory_space<vmem>>) semaphore(%arg11 : memref<!tpu.dma_semaphore, #tpu.memory_space<semaphore_mem>>)
      %mul3A_590 = arith.constant 128 : i32
      %mul3A_591 = arith.muli %add3A_555, %mul3A_590 : i32
      %dma_wait3A_592 = arith.constant 0 : i32
      %dma_wait3A_593 = arith.constant 0 : i32
      %dma_wait3A_594 = arith.constant 0 : i32
      %dma_wait3A_595 = tpu.memref_slice %arg6[%dma_wait3A_592, %dma_wait3A_593, %dma_wait3A_594] : memref<6x128x128xf32, #tpu.memory_space<vmem>> -> memref<1x128x128xf32, #tpu.memory_space<vmem>>
      %dma_wait3A_596 = tpu.memref_squeeze %dma_wait3A_595 : memref<1x128x128xf32, #tpu.memory_space<vmem>> -> memref<128x128xf32, #tpu.memory_space<vmem>>
      %dma_wait3A_597 = tpu.memref_slice %arg5[%mul3A_591] : memref<25600xi32, #tpu.memory_space<vmem>> -> memref<128xi32, #tpu.memory_space<vmem>>
      %dma_wait3A_598 = arith.constant 0 : i32
      %dma_wait3A_599 = arith.constant 0 : i32
      %dma_wait3A_600 = tpu.memref_slice %arg3[%dma_wait3A_598, %dma_wait3A_599] : memref<1000000x128xf32, #tpu.memory_space<hbm>> -> memref<1000000x128xf32, #tpu.memory_space<hbm>>
      tpu.wait_indirect_dma semaphore(%arg7 : memref<!tpu.dma_semaphore, #tpu.memory_space<semaphore_mem>>) src(%dma_wait3A_600 : memref<1000000x128xf32, #tpu.memory_space<hbm>>) dst(%dma_wait3A_596 : memref<128x128xf32, #tpu.memory_space<vmem>>)
      %mul3A_601 = arith.constant 128 : i32
      %mul3A_602 = arith.muli %add3A_555, %mul3A_601 : i32
      %add3A_603 = arith.addi %mul3A_2, %mul3A_602 : i32
      %multiple_of3A_604 = tpu.assume_multiple %add3A_603, 128 : i32
      %dma_start3A_605 = arith.constant 0 : i32
      %dma_start3A_606 = arith.constant 0 : i32
      %dma_start3A_607 = arith.constant 0 : i32
      %dma_start3A_608 = tpu.memref_slice %arg6[%dma_start3A_605, %dma_start3A_606, %dma_start3A_607] : memref<6x128x128xf32, #tpu.memory_space<vmem>> -> memref<1x128x128xf32, #tpu.memory_space<vmem>>
      %dma_start3A_609 = tpu.memref_squeeze %dma_start3A_608 : memref<1x128x128xf32, #tpu.memory_space<vmem>> -> memref<128x128xf32, #tpu.memory_space<vmem>>
      %dma_start3A_610 = arith.constant 0 : i32
      %dma_start3A_611 = tpu.memref_slice %arg4[%multiple_of3A_604, %dma_start3A_610] : memref<819200x128xf32, #tpu.memory_space<hbm>> -> memref<128x128xf32, #tpu.memory_space<hbm>>
      %dma_start3A_612 = arith.constant 0 : i32
      %dma_start3A_613 = tpu.memref_slice %arg4[%multiple_of3A_604, %dma_start3A_612] : memref<819200x128xf32, #tpu.memory_space<hbm>> -> memref<128x128xf32, #tpu.memory_space<hbm>>
      %dma_start3A_614 = arith.constant 0 : i32
      %dma_start3A_615 = arith.constant 0 : i32
      %dma_start3A_616 = tpu.memref_slice %arg6[%dma_start3A_605, %dma_start3A_614, %dma_start3A_615] : memref<6x128x128xf32, #tpu.memory_space<vmem>> -> memref<1x128x128xf32, #tpu.memory_space<vmem>>
      %dma_start3A_617 = tpu.memref_squeeze %dma_start3A_616 : memref<1x128x128xf32, #tpu.memory_space<vmem>> -> memref<128x128xf32, #tpu.memory_space<vmem>>
      tpu.enqueue_dma source(%dma_start3A_617 : memref<128x128xf32, #tpu.memory_space<vmem>>) target(%dma_start3A_613 : memref<128x128xf32, #tpu.memory_space<hbm>>) target_semaphore(%arg13 : memref<!tpu.dma_semaphore, #tpu.memory_space<semaphore_mem>>)
      %add3A_618 = arith.constant 3 : i32
      %add3A_619 = arith.addi %add3A_426, %add3A_618 : i32
      %add3A_620 = arith.constant 4 : i32
      %add3A_621 = arith.addi %add3A_619, %add3A_620 : i32
      %sub3A_622 = arith.constant 6 : i32
      %sub3A_623 = arith.subi %add3A_621, %sub3A_622 : i32
      %mul3A_624 = arith.constant 128 : i32
      %mul3A_625 = arith.muli %sub3A_623, %mul3A_624 : i32
      %add3A_626 = arith.addi %mul3A_2, %mul3A_625 : i32
      %multiple_of3A_627 = tpu.assume_multiple %add3A_626, 128 : i32
      %dma_wait3A_628 = arith.constant 5 : i32
      %dma_wait3A_629 = arith.constant 0 : i32
      %dma_wait3A_630 = arith.constant 0 : i32
      %dma_wait3A_631 = tpu.memref_slice %arg6[%dma_wait3A_628, %dma_wait3A_629, %dma_wait3A_630] : memref<6x128x128xf32, #tpu.memory_space<vmem>> -> memref<1x128x128xf32, #tpu.memory_space<vmem>>
      %dma_wait3A_632 = tpu.memref_squeeze %dma_wait3A_631 : memref<1x128x128xf32, #tpu.memory_space<vmem>> -> memref<128x128xf32, #tpu.memory_space<vmem>>
      %dma_wait3A_633 = arith.constant 0 : i32
      %dma_wait3A_634 = tpu.memref_slice %arg4[%multiple_of3A_627, %dma_wait3A_633] : memref<819200x128xf32, #tpu.memory_space<hbm>> -> memref<128x128xf32, #tpu.memory_space<hbm>>
      %dma_wait3A_635 = arith.constant 0 : i32
      %dma_wait3A_636 = tpu.memref_slice %arg4[%multiple_of3A_627, %dma_wait3A_635] : memref<819200x128xf32, #tpu.memory_space<hbm>> -> memref<128x128xf32, #tpu.memory_space<hbm>>
      %dma_wait3A_637 = arith.constant 0 : i32
      %dma_wait3A_638 = arith.constant 0 : i32
      %dma_wait3A_639 = tpu.memref_slice %arg6[%dma_wait3A_628, %dma_wait3A_637, %dma_wait3A_638] : memref<6x128x128xf32, #tpu.memory_space<vmem>> -> memref<1x128x128xf32, #tpu.memory_space<vmem>>
      %dma_wait3A_640 = tpu.memref_squeeze %dma_wait3A_639 : memref<1x128x128xf32, #tpu.memory_space<vmem>> -> memref<128x128xf32, #tpu.memory_space<vmem>>
      tpu.wait_dma2 semaphore(%arg18 : memref<!tpu.dma_semaphore, #tpu.memory_space<semaphore_mem>>) src(%dma_wait3A_640 : memref<128x128xf32, #tpu.memory_space<vmem>>) dst(%dma_wait3A_636 : memref<128x128xf32, #tpu.memory_space<hbm>>)
      %add3A_641 = arith.constant 4 : i32
      %add3A_642 = arith.addi %add3A_619, %add3A_641 : i32
      %mul3A_643 = arith.constant 128 : i32
      %mul3A_644 = arith.muli %add3A_642, %mul3A_643 : i32
      %dma_start3A_645 = arith.constant 5 : i32
      %dma_start3A_646 = arith.constant 0 : i32
      %dma_start3A_647 = arith.constant 0 : i32
      %dma_start3A_648 = tpu.memref_slice %arg6[%dma_start3A_645, %dma_start3A_646, %dma_start3A_647] : memref<6x128x128xf32, #tpu.memory_space<vmem>> -> memref<1x128x128xf32, #tpu.memory_space<vmem>>
      %dma_start3A_649 = tpu.memref_squeeze %dma_start3A_648 : memref<1x128x128xf32, #tpu.memory_space<vmem>> -> memref<128x128xf32, #tpu.memory_space<vmem>>
      %dma_start3A_650 = tpu.memref_slice %arg5[%mul3A_644] : memref<25600xi32, #tpu.memory_space<vmem>> -> memref<128xi32, #tpu.memory_space<vmem>>
      %dma_start3A_651 = arith.constant 0 : i32
      %dma_start3A_652 = arith.constant 0 : i32
      %dma_start3A_653 = tpu.memref_slice %arg3[%dma_start3A_651, %dma_start3A_652] : memref<1000000x128xf32, #tpu.memory_space<hbm>> -> memref<1000000x128xf32, #tpu.memory_space<hbm>>
      tpu.enqueue_indirect_dma source(%dma_start3A_653 : memref<1000000x128xf32, #tpu.memory_space<hbm>>) target(%dma_start3A_649 : memref<128x128xf32, #tpu.memory_space<vmem>>) offsets(%dma_start3A_650 : memref<128xi32, #tpu.memory_space<vmem>>) semaphore(%arg12 : memref<!tpu.dma_semaphore, #tpu.memory_space<semaphore_mem>>)
      %mul3A_654 = arith.constant 128 : i32
      %mul3A_655 = arith.muli %add3A_619, %mul3A_654 : i32
      %dma_wait3A_656 = arith.constant 1 : i32
      %dma_wait3A_657 = arith.constant 0 : i32
      %dma_wait3A_658 = arith.constant 0 : i32
      %dma_wait3A_659 = tpu.memref_slice %arg6[%dma_wait3A_656, %dma_wait3A_657, %dma_wait3A_658] : memref<6x128x128xf32, #tpu.memory_space<vmem>> -> memref<1x128x128xf32, #tpu.memory_space<vmem>>
      %dma_wait3A_660 = tpu.memref_squeeze %dma_wait3A_659 : memref<1x128x128xf32, #tpu.memory_space<vmem>> -> memref<128x128xf32, #tpu.memory_space<vmem>>
      %dma_wait3A_661 = tpu.memref_slice %arg5[%mul3A_655] : memref<25600xi32, #tpu.memory_space<vmem>> -> memref<128xi32, #tpu.memory_space<vmem>>
      %dma_wait3A_662 = arith.constant 0 : i32
      %dma_wait3A_663 = arith.constant 0 : i32
      %dma_wait3A_664 = tpu.memref_slice %arg3[%dma_wait3A_662, %dma_wait3A_663] : memref<1000000x128xf32, #tpu.memory_space<hbm>> -> memref<1000000x128xf32, #tpu.memory_space<hbm>>
      tpu.wait_indirect_dma semaphore(%arg8 : memref<!tpu.dma_semaphore, #tpu.memory_space<semaphore_mem>>) src(%dma_wait3A_664 : memref<1000000x128xf32, #tpu.memory_space<hbm>>) dst(%dma_wait3A_660 : memref<128x128xf32, #tpu.memory_space<vmem>>)
      %mul3A_665 = arith.constant 128 : i32
      %mul3A_666 = arith.muli %add3A_619, %mul3A_665 : i32
      %add3A_667 = arith.addi %mul3A_2, %mul3A_666 : i32
      %multiple_of3A_668 = tpu.assume_multiple %add3A_667, 128 : i32
      %dma_start3A_669 = arith.constant 1 : i32
      %dma_start3A_670 = arith.constant 0 : i32
      %dma_start3A_671 = arith.constant 0 : i32
      %dma_start3A_672 = tpu.memref_slice %arg6[%dma_start3A_669, %dma_start3A_670, %dma_start3A_671] : memref<6x128x128xf32, #tpu.memory_space<vmem>> -> memref<1x128x128xf32, #tpu.memory_space<vmem>>
      %dma_start3A_673 = tpu.memref_squeeze %dma_start3A_672 : memref<1x128x128xf32, #tpu.memory_space<vmem>> -> memref<128x128xf32, #tpu.memory_space<vmem>>
      %dma_start3A_674 = arith.constant 0 : i32
      %dma_start3A_675 = tpu.memref_slice %arg4[%multiple_of3A_668, %dma_start3A_674] : memref<819200x128xf32, #tpu.memory_space<hbm>> -> memref<128x128xf32, #tpu.memory_space<hbm>>
      %dma_start3A_676 = arith.constant 0 : i32
      %dma_start3A_677 = tpu.memref_slice %arg4[%multiple_of3A_668, %dma_start3A_676] : memref<819200x128xf32, #tpu.memory_space<hbm>> -> memref<128x128xf32, #tpu.memory_space<hbm>>
      %dma_start3A_678 = arith.constant 0 : i32
      %dma_start3A_679 = arith.constant 0 : i32
      %dma_start3A_680 = tpu.memref_slice %arg6[%dma_start3A_669, %dma_start3A_678, %dma_start3A_679] : memref<6x128x128xf32, #tpu.memory_space<vmem>> -> memref<1x128x128xf32, #tpu.memory_space<vmem>>
      %dma_start3A_681 = tpu.memref_squeeze %dma_start3A_680 : memref<1x128x128xf32, #tpu.memory_space<vmem>> -> memref<128x128xf32, #tpu.memory_space<vmem>>
      tpu.enqueue_dma source(%dma_start3A_681 : memref<128x128xf32, #tpu.memory_space<vmem>>) target(%dma_start3A_677 : memref<128x128xf32, #tpu.memory_space<hbm>>) target_semaphore(%arg14 : memref<!tpu.dma_semaphore, #tpu.memory_space<semaphore_mem>>)
      %add3A_682 = arith.constant 4 : i32
      %add3A_683 = arith.addi %add3A_426, %add3A_682 : i32
      %add3A_684 = arith.constant 4 : i32
      %add3A_685 = arith.addi %add3A_683, %add3A_684 : i32
      %sub3A_686 = arith.constant 6 : i32
      %sub3A_687 = arith.subi %add3A_685, %sub3A_686 : i32
      %mul3A_688 = arith.constant 128 : i32
      %mul3A_689 = arith.muli %sub3A_687, %mul3A_688 : i32
      %add3A_690 = arith.addi %mul3A_2, %mul3A_689 : i32
      %multiple_of3A_691 = tpu.assume_multiple %add3A_690, 128 : i32
      %dma_wait3A_692 = arith.constant 0 : i32
      %dma_wait3A_693 = arith.constant 0 : i32
      %dma_wait3A_694 = arith.constant 0 : i32
      %dma_wait3A_695 = tpu.memref_slice %arg6[%dma_wait3A_692, %dma_wait3A_693, %dma_wait3A_694] : memref<6x128x128xf32, #tpu.memory_space<vmem>> -> memref<1x128x128xf32, #tpu.memory_space<vmem>>
      %dma_wait3A_696 = tpu.memref_squeeze %dma_wait3A_695 : memref<1x128x128xf32, #tpu.memory_space<vmem>> -> memref<128x128xf32, #tpu.memory_space<vmem>>
      %dma_wait3A_697 = arith.constant 0 : i32
      %dma_wait3A_698 = tpu.memref_slice %arg4[%multiple_of3A_691, %dma_wait3A_697] : memref<819200x128xf32, #tpu.memory_space<hbm>> -> memref<128x128xf32, #tpu.memory_space<hbm>>
      %dma_wait3A_699 = arith.constant 0 : i32
      %dma_wait3A_700 = tpu.memref_slice %arg4[%multiple_of3A_691, %dma_wait3A_699] : memref<819200x128xf32, #tpu.memory_space<hbm>> -> memref<128x128xf32, #tpu.memory_space<hbm>>
      %dma_wait3A_701 = arith.constant 0 : i32
      %dma_wait3A_702 = arith.constant 0 : i32
      %dma_wait3A_703 = tpu.memref_slice %arg6[%dma_wait3A_692, %dma_wait3A_701, %dma_wait3A_702] : memref<6x128x128xf32, #tpu.memory_space<vmem>> -> memref<1x128x128xf32, #tpu.memory_space<vmem>>
      %dma_wait3A_704 = tpu.memref_squeeze %dma_wait3A_703 : memref<1x128x128xf32, #tpu.memory_space<vmem>> -> memref<128x128xf32, #tpu.memory_space<vmem>>
      tpu.wait_dma2 semaphore(%arg13 : memref<!tpu.dma_semaphore, #tpu.memory_space<semaphore_mem>>) src(%dma_wait3A_704 : memref<128x128xf32, #tpu.memory_space<vmem>>) dst(%dma_wait3A_700 : memref<128x128xf32, #tpu.memory_space<hbm>>)
      %add3A_705 = arith.constant 4 : i32
      %add3A_706 = arith.addi %add3A_683, %add3A_705 : i32
      %mul3A_707 = arith.constant 128 : i32
      %mul3A_708 = arith.muli %add3A_706, %mul3A_707 : i32
      %dma_start3A_709 = arith.constant 0 : i32
      %dma_start3A_710 = arith.constant 0 : i32
      %dma_start3A_711 = arith.constant 0 : i32
      %dma_start3A_712 = tpu.memref_slice %arg6[%dma_start3A_709, %dma_start3A_710, %dma_start3A_711] : memref<6x128x128xf32, #tpu.memory_space<vmem>> -> memref<1x128x128xf32, #tpu.memory_space<vmem>>
      %dma_start3A_713 = tpu.memref_squeeze %dma_start3A_712 : memref<1x128x128xf32, #tpu.memory_space<vmem>> -> memref<128x128xf32, #tpu.memory_space<vmem>>
      %dma_start3A_714 = tpu.memref_slice %arg5[%mul3A_708] : memref<25600xi32, #tpu.memory_space<vmem>> -> memref<128xi32, #tpu.memory_space<vmem>>
      %dma_start3A_715 = arith.constant 0 : i32
      %dma_start3A_716 = arith.constant 0 : i32
      %dma_start3A_717 = tpu.memref_slice %arg3[%dma_start3A_715, %dma_start3A_716] : memref<1000000x128xf32, #tpu.memory_space<hbm>> -> memref<1000000x128xf32, #tpu.memory_space<hbm>>
      tpu.enqueue_indirect_dma source(%dma_start3A_717 : memref<1000000x128xf32, #tpu.memory_space<hbm>>) target(%dma_start3A_713 : memref<128x128xf32, #tpu.memory_space<vmem>>) offsets(%dma_start3A_714 : memref<128xi32, #tpu.memory_space<vmem>>) semaphore(%arg7 : memref<!tpu.dma_semaphore, #tpu.memory_space<semaphore_mem>>)
      %mul3A_718 = arith.constant 128 : i32
      %mul3A_719 = arith.muli %add3A_683, %mul3A_718 : i32
      %dma_wait3A_720 = arith.constant 2 : i32
      %dma_wait3A_721 = arith.constant 0 : i32
      %dma_wait3A_722 = arith.constant 0 : i32
      %dma_wait3A_723 = tpu.memref_slice %arg6[%dma_wait3A_720, %dma_wait3A_721, %dma_wait3A_722] : memref<6x128x128xf32, #tpu.memory_space<vmem>> -> memref<1x128x128xf32, #tpu.memory_space<vmem>>
      %dma_wait3A_724 = tpu.memref_squeeze %dma_wait3A_723 : memref<1x128x128xf32, #tpu.memory_space<vmem>> -> memref<128x128xf32, #tpu.memory_space<vmem>>
      %dma_wait3A_725 = tpu.memref_slice %arg5[%mul3A_719] : memref<25600xi32, #tpu.memory_space<vmem>> -> memref<128xi32, #tpu.memory_space<vmem>>
      %dma_wait3A_726 = arith.constant 0 : i32
      %dma_wait3A_727 = arith.constant 0 : i32
      %dma_wait3A_728 = tpu.memref_slice %arg3[%dma_wait3A_726, %dma_wait3A_727] : memref<1000000x128xf32, #tpu.memory_space<hbm>> -> memref<1000000x128xf32, #tpu.memory_space<hbm>>
      tpu.wait_indirect_dma semaphore(%arg9 : memref<!tpu.dma_semaphore, #tpu.memory_space<semaphore_mem>>) src(%dma_wait3A_728 : memref<1000000x128xf32, #tpu.memory_space<hbm>>) dst(%dma_wait3A_724 : memref<128x128xf32, #tpu.memory_space<vmem>>)
      %mul3A_729 = arith.constant 128 : i32
      %mul3A_730 = arith.muli %add3A_683, %mul3A_729 : i32
      %add3A_731 = arith.addi %mul3A_2, %mul3A_730 : i32
      %multiple_of3A_732 = tpu.assume_multiple %add3A_731, 128 : i32
      %dma_start3A_733 = arith.constant 2 : i32
      %dma_start3A_734 = arith.constant 0 : i32
      %dma_start3A_735 = arith.constant 0 : i32
      %dma_start3A_736 = tpu.memref_slice %arg6[%dma_start3A_733, %dma_start3A_734, %dma_start3A_735] : memref<6x128x128xf32, #tpu.memory_space<vmem>> -> memref<1x128x128xf32, #tpu.memory_space<vmem>>
      %dma_start3A_737 = tpu.memref_squeeze %dma_start3A_736 : memref<1x128x128xf32, #tpu.memory_space<vmem>> -> memref<128x128xf32, #tpu.memory_space<vmem>>
      %dma_start3A_738 = arith.constant 0 : i32
      %dma_start3A_739 = tpu.memref_slice %arg4[%multiple_of3A_732, %dma_start3A_738] : memref<819200x128xf32, #tpu.memory_space<hbm>> -> memref<128x128xf32, #tpu.memory_space<hbm>>
      %dma_start3A_740 = arith.constant 0 : i32
      %dma_start3A_741 = tpu.memref_slice %arg4[%multiple_of3A_732, %dma_start3A_740] : memref<819200x128xf32, #tpu.memory_space<hbm>> -> memref<128x128xf32, #tpu.memory_space<hbm>>
      %dma_start3A_742 = arith.constant 0 : i32
      %dma_start3A_743 = arith.constant 0 : i32
      %dma_start3A_744 = tpu.memref_slice %arg6[%dma_start3A_733, %dma_start3A_742, %dma_start3A_743] : memref<6x128x128xf32, #tpu.memory_space<vmem>> -> memref<1x128x128xf32, #tpu.memory_space<vmem>>
      %dma_start3A_745 = tpu.memref_squeeze %dma_start3A_744 : memref<1x128x128xf32, #tpu.memory_space<vmem>> -> memref<128x128xf32, #tpu.memory_space<vmem>>
      tpu.enqueue_dma source(%dma_start3A_745 : memref<128x128xf32, #tpu.memory_space<vmem>>) target(%dma_start3A_741 : memref<128x128xf32, #tpu.memory_space<hbm>>) target_semaphore(%arg15 : memref<!tpu.dma_semaphore, #tpu.memory_space<semaphore_mem>>)
      %add3A_746 = arith.constant 5 : i32
      %add3A_747 = arith.addi %add3A_426, %add3A_746 : i32
      %add3A_748 = arith.constant 4 : i32
      %add3A_749 = arith.addi %add3A_747, %add3A_748 : i32
      %sub3A_750 = arith.constant 6 : i32
      %sub3A_751 = arith.subi %add3A_749, %sub3A_750 : i32
      %mul3A_752 = arith.constant 128 : i32
      %mul3A_753 = arith.muli %sub3A_751, %mul3A_752 : i32
      %add3A_754 = arith.addi %mul3A_2, %mul3A_753 : i32
      %multiple_of3A_755 = tpu.assume_multiple %add3A_754, 128 : i32
      %dma_wait3A_756 = arith.constant 1 : i32
      %dma_wait3A_757 = arith.constant 0 : i32
      %dma_wait3A_758 = arith.constant 0 : i32
      %dma_wait3A_759 = tpu.memref_slice %arg6[%dma_wait3A_756, %dma_wait3A_757, %dma_wait3A_758] : memref<6x128x128xf32, #tpu.memory_space<vmem>> -> memref<1x128x128xf32, #tpu.memory_space<vmem>>
      %dma_wait3A_760 = tpu.memref_squeeze %dma_wait3A_759 : memref<1x128x128xf32, #tpu.memory_space<vmem>> -> memref<128x128xf32, #tpu.memory_space<vmem>>
      %dma_wait3A_761 = arith.constant 0 : i32
      %dma_wait3A_762 = tpu.memref_slice %arg4[%multiple_of3A_755, %dma_wait3A_761] : memref<819200x128xf32, #tpu.memory_space<hbm>> -> memref<128x128xf32, #tpu.memory_space<hbm>>
      %dma_wait3A_763 = arith.constant 0 : i32
      %dma_wait3A_764 = tpu.memref_slice %arg4[%multiple_of3A_755, %dma_wait3A_763] : memref<819200x128xf32, #tpu.memory_space<hbm>> -> memref<128x128xf32, #tpu.memory_space<hbm>>
      %dma_wait3A_765 = arith.constant 0 : i32
      %dma_wait3A_766 = arith.constant 0 : i32
      %dma_wait3A_767 = tpu.memref_slice %arg6[%dma_wait3A_756, %dma_wait3A_765, %dma_wait3A_766] : memref<6x128x128xf32, #tpu.memory_space<vmem>> -> memref<1x128x128xf32, #tpu.memory_space<vmem>>
      %dma_wait3A_768 = tpu.memref_squeeze %dma_wait3A_767 : memref<1x128x128xf32, #tpu.memory_space<vmem>> -> memref<128x128xf32, #tpu.memory_space<vmem>>
      tpu.wait_dma2 semaphore(%arg14 : memref<!tpu.dma_semaphore, #tpu.memory_space<semaphore_mem>>) src(%dma_wait3A_768 : memref<128x128xf32, #tpu.memory_space<vmem>>) dst(%dma_wait3A_764 : memref<128x128xf32, #tpu.memory_space<hbm>>)
      %add3A_769 = arith.constant 4 : i32
      %add3A_770 = arith.addi %add3A_747, %add3A_769 : i32
      %mul3A_771 = arith.constant 128 : i32
      %mul3A_772 = arith.muli %add3A_770, %mul3A_771 : i32
      %dma_start3A_773 = arith.constant 1 : i32
      %dma_start3A_774 = arith.constant 0 : i32
      %dma_start3A_775 = arith.constant 0 : i32
      %dma_start3A_776 = tpu.memref_slice %arg6[%dma_start3A_773, %dma_start3A_774, %dma_start3A_775] : memref<6x128x128xf32, #tpu.memory_space<vmem>> -> memref<1x128x128xf32, #tpu.memory_space<vmem>>
      %dma_start3A_777 = tpu.memref_squeeze %dma_start3A_776 : memref<1x128x128xf32, #tpu.memory_space<vmem>> -> memref<128x128xf32, #tpu.memory_space<vmem>>
      %dma_start3A_778 = tpu.memref_slice %arg5[%mul3A_772] : memref<25600xi32, #tpu.memory_space<vmem>> -> memref<128xi32, #tpu.memory_space<vmem>>
      %dma_start3A_779 = arith.constant 0 : i32
      %dma_start3A_780 = arith.constant 0 : i32
      %dma_start3A_781 = tpu.memref_slice %arg3[%dma_start3A_779, %dma_start3A_780] : memref<1000000x128xf32, #tpu.memory_space<hbm>> -> memref<1000000x128xf32, #tpu.memory_space<hbm>>
      tpu.enqueue_indirect_dma source(%dma_start3A_781 : memref<1000000x128xf32, #tpu.memory_space<hbm>>) target(%dma_start3A_777 : memref<128x128xf32, #tpu.memory_space<vmem>>) offsets(%dma_start3A_778 : memref<128xi32, #tpu.memory_space<vmem>>) semaphore(%arg8 : memref<!tpu.dma_semaphore, #tpu.memory_space<semaphore_mem>>)
      %mul3A_782 = arith.constant 128 : i32
      %mul3A_783 = arith.muli %add3A_747, %mul3A_782 : i32
      %dma_wait3A_784 = arith.constant 3 : i32
      %dma_wait3A_785 = arith.constant 0 : i32
      %dma_wait3A_786 = arith.constant 0 : i32
      %dma_wait3A_787 = tpu.memref_slice %arg6[%dma_wait3A_784, %dma_wait3A_785, %dma_wait3A_786] : memref<6x128x128xf32, #tpu.memory_space<vmem>> -> memref<1x128x128xf32, #tpu.memory_space<vmem>>
      %dma_wait3A_788 = tpu.memref_squeeze %dma_wait3A_787 : memref<1x128x128xf32, #tpu.memory_space<vmem>> -> memref<128x128xf32, #tpu.memory_space<vmem>>
      %dma_wait3A_789 = tpu.memref_slice %arg5[%mul3A_783] : memref<25600xi32, #tpu.memory_space<vmem>> -> memref<128xi32, #tpu.memory_space<vmem>>
      %dma_wait3A_790 = arith.constant 0 : i32
      %dma_wait3A_791 = arith.constant 0 : i32
      %dma_wait3A_792 = tpu.memref_slice %arg3[%dma_wait3A_790, %dma_wait3A_791] : memref<1000000x128xf32, #tpu.memory_space<hbm>> -> memref<1000000x128xf32, #tpu.memory_space<hbm>>
      tpu.wait_indirect_dma semaphore(%arg10 : memref<!tpu.dma_semaphore, #tpu.memory_space<semaphore_mem>>) src(%dma_wait3A_792 : memref<1000000x128xf32, #tpu.memory_space<hbm>>) dst(%dma_wait3A_788 : memref<128x128xf32, #tpu.memory_space<vmem>>)
      %mul3A_793 = arith.constant 128 : i32
      %mul3A_794 = arith.muli %add3A_747, %mul3A_793 : i32
      %add3A_795 = arith.addi %mul3A_2, %mul3A_794 : i32
      %multiple_of3A_796 = tpu.assume_multiple %add3A_795, 128 : i32
      %dma_start3A_797 = arith.constant 3 : i32
      %dma_start3A_798 = arith.constant 0 : i32
      %dma_start3A_799 = arith.constant 0 : i32
      %dma_start3A_800 = tpu.memref_slice %arg6[%dma_start3A_797, %dma_start3A_798, %dma_start3A_799] : memref<6x128x128xf32, #tpu.memory_space<vmem>> -> memref<1x128x128xf32, #tpu.memory_space<vmem>>
      %dma_start3A_801 = tpu.memref_squeeze %dma_start3A_800 : memref<1x128x128xf32, #tpu.memory_space<vmem>> -> memref<128x128xf32, #tpu.memory_space<vmem>>
      %dma_start3A_802 = arith.constant 0 : i32
      %dma_start3A_803 = tpu.memref_slice %arg4[%multiple_of3A_796, %dma_start3A_802] : memref<819200x128xf32, #tpu.memory_space<hbm>> -> memref<128x128xf32, #tpu.memory_space<hbm>>
      %dma_start3A_804 = arith.constant 0 : i32
      %dma_start3A_805 = tpu.memref_slice %arg4[%multiple_of3A_796, %dma_start3A_804] : memref<819200x128xf32, #tpu.memory_space<hbm>> -> memref<128x128xf32, #tpu.memory_space<hbm>>
      %dma_start3A_806 = arith.constant 0 : i32
      %dma_start3A_807 = arith.constant 0 : i32
      %dma_start3A_808 = tpu.memref_slice %arg6[%dma_start3A_797, %dma_start3A_806, %dma_start3A_807] : memref<6x128x128xf32, #tpu.memory_space<vmem>> -> memref<1x128x128xf32, #tpu.memory_space<vmem>>
      %dma_start3A_809 = tpu.memref_squeeze %dma_start3A_808 : memref<1x128x128xf32, #tpu.memory_space<vmem>> -> memref<128x128xf32, #tpu.memory_space<vmem>>
      tpu.enqueue_dma source(%dma_start3A_809 : memref<128x128xf32, #tpu.memory_space<vmem>>) target(%dma_start3A_805 : memref<128x128xf32, #tpu.memory_space<hbm>>) target_semaphore(%arg16 : memref<!tpu.dma_semaphore, #tpu.memory_space<semaphore_mem>>)
    }
    %scan3A_221 = arith.constant 32 : i32
    %dma_wait3A_222 = arith.constant 4 : i32
    %dma_wait3A_223 = arith.constant 0 : i32
    %dma_wait3A_224 = arith.constant 0 : i32
    %dma_wait3A_225 = tpu.memref_slice %arg6[%dma_wait3A_222, %dma_wait3A_223, %dma_wait3A_224] : memref<6x128x128xf32, #tpu.memory_space<vmem>> -> memref<1x128x128xf32, #tpu.memory_space<vmem>>
    %dma_wait3A_226 = tpu.memref_squeeze %dma_wait3A_225 : memref<1x128x128xf32, #tpu.memory_space<vmem>> -> memref<128x128xf32, #tpu.memory_space<vmem>>
    %dma_wait3A_227 = arith.constant 25088 : i32
    %dma_wait3A_228 = tpu.memref_slice %arg5[%dma_wait3A_227] : memref<25600xi32, #tpu.memory_space<vmem>> -> memref<128xi32, #tpu.memory_space<vmem>>
    %dma_wait3A_229 = arith.constant 0 : i32
    %dma_wait3A_230 = arith.constant 0 : i32
    %dma_wait3A_231 = tpu.memref_slice %arg3[%dma_wait3A_229, %dma_wait3A_230] : memref<1000000x128xf32, #tpu.memory_space<hbm>> -> memref<1000000x128xf32, #tpu.memory_space<hbm>>
    tpu.wait_indirect_dma semaphore(%arg11 : memref<!tpu.dma_semaphore, #tpu.memory_space<semaphore_mem>>) src(%dma_wait3A_231 : memref<1000000x128xf32, #tpu.memory_space<hbm>>) dst(%dma_wait3A_226 : memref<128x128xf32, #tpu.memory_space<vmem>>)
    %add3A_232 = arith.constant 25088 : i32
    %add3A_233 = arith.addi %mul3A_2, %add3A_232 : i32
    %multiple_of3A_234 = tpu.assume_multiple %add3A_233, 128 : i32
    %dma_start3A_235 = arith.constant 4 : i32
    %dma_start3A_236 = arith.constant 0 : i32
    %dma_start3A_237 = arith.constant 0 : i32
    %dma_start3A_238 = tpu.memref_slice %arg6[%dma_start3A_235, %dma_start3A_236, %dma_start3A_237] : memref<6x128x128xf32, #tpu.memory_space<vmem>> -> memref<1x128x128xf32, #tpu.memory_space<vmem>>
    %dma_start3A_239 = tpu.memref_squeeze %dma_start3A_238 : memref<1x128x128xf32, #tpu.memory_space<vmem>> -> memref<128x128xf32, #tpu.memory_space<vmem>>
    %dma_start3A_240 = arith.constant 0 : i32
    %dma_start3A_241 = tpu.memref_slice %arg4[%multiple_of3A_234, %dma_start3A_240] : memref<819200x128xf32, #tpu.memory_space<hbm>> -> memref<128x128xf32, #tpu.memory_space<hbm>>
    %dma_start3A_242 = arith.constant 0 : i32
    %dma_start3A_243 = tpu.memref_slice %arg4[%multiple_of3A_234, %dma_start3A_242] : memref<819200x128xf32, #tpu.memory_space<hbm>> -> memref<128x128xf32, #tpu.memory_space<hbm>>
    %dma_start3A_244 = arith.constant 0 : i32
    %dma_start3A_245 = arith.constant 0 : i32
    %dma_start3A_246 = tpu.memref_slice %arg6[%dma_start3A_235, %dma_start3A_244, %dma_start3A_245] : memref<6x128x128xf32, #tpu.memory_space<vmem>> -> memref<1x128x128xf32, #tpu.memory_space<vmem>>
    %dma_start3A_247 = tpu.memref_squeeze %dma_start3A_246 : memref<1x128x128xf32, #tpu.memory_space<vmem>> -> memref<128x128xf32, #tpu.memory_space<vmem>>
    tpu.enqueue_dma source(%dma_start3A_247 : memref<128x128xf32, #tpu.memory_space<vmem>>) target(%dma_start3A_243 : memref<128x128xf32, #tpu.memory_space<hbm>>) target_semaphore(%arg17 : memref<!tpu.dma_semaphore, #tpu.memory_space<semaphore_mem>>)
    %dma_wait3A_248 = arith.constant 5 : i32
    %dma_wait3A_249 = arith.constant 0 : i32
    %dma_wait3A_250 = arith.constant 0 : i32
    %dma_wait3A_251 = tpu.memref_slice %arg6[%dma_wait3A_248, %dma_wait3A_249, %dma_wait3A_250] : memref<6x128x128xf32, #tpu.memory_space<vmem>> -> memref<1x128x128xf32, #tpu.memory_space<vmem>>
    %dma_wait3A_252 = tpu.memref_squeeze %dma_wait3A_251 : memref<1x128x128xf32, #tpu.memory_space<vmem>> -> memref<128x128xf32, #tpu.memory_space<vmem>>
    %dma_wait3A_253 = arith.constant 25216 : i32
    %dma_wait3A_254 = tpu.memref_slice %arg5[%dma_wait3A_253] : memref<25600xi32, #tpu.memory_space<vmem>> -> memref<128xi32, #tpu.memory_space<vmem>>
    %dma_wait3A_255 = arith.constant 0 : i32
    %dma_wait3A_256 = arith.constant 0 : i32
    %dma_wait3A_257 = tpu.memref_slice %arg3[%dma_wait3A_255, %dma_wait3A_256] : memref<1000000x128xf32, #tpu.memory_space<hbm>> -> memref<1000000x128xf32, #tpu.memory_space<hbm>>
    tpu.wait_indirect_dma semaphore(%arg12 : memref<!tpu.dma_semaphore, #tpu.memory_space<semaphore_mem>>) src(%dma_wait3A_257 : memref<1000000x128xf32, #tpu.memory_space<hbm>>) dst(%dma_wait3A_252 : memref<128x128xf32, #tpu.memory_space<vmem>>)
    %add3A_258 = arith.constant 25216 : i32
    %add3A_259 = arith.addi %mul3A_2, %add3A_258 : i32
    %multiple_of3A_260 = tpu.assume_multiple %add3A_259, 128 : i32
    %dma_start3A_261 = arith.constant 5 : i32
    %dma_start3A_262 = arith.constant 0 : i32
    %dma_start3A_263 = arith.constant 0 : i32
    %dma_start3A_264 = tpu.memref_slice %arg6[%dma_start3A_261, %dma_start3A_262, %dma_start3A_263] : memref<6x128x128xf32, #tpu.memory_space<vmem>> -> memref<1x128x128xf32, #tpu.memory_space<vmem>>
    %dma_start3A_265 = tpu.memref_squeeze %dma_start3A_264 : memref<1x128x128xf32, #tpu.memory_space<vmem>> -> memref<128x128xf32, #tpu.memory_space<vmem>>
    %dma_start3A_266 = arith.constant 0 : i32
    %dma_start3A_267 = tpu.memref_slice %arg4[%multiple_of3A_260, %dma_start3A_266] : memref<819200x128xf32, #tpu.memory_space<hbm>> -> memref<128x128xf32, #tpu.memory_space<hbm>>
    %dma_start3A_268 = arith.constant 0 : i32
    %dma_start3A_269 = tpu.memref_slice %arg4[%multiple_of3A_260, %dma_start3A_268] : memref<819200x128xf32, #tpu.memory_space<hbm>> -> memref<128x128xf32, #tpu.memory_space<hbm>>
    %dma_start3A_270 = arith.constant 0 : i32
    %dma_start3A_271 = arith.constant 0 : i32
    %dma_start3A_272 = tpu.memref_slice %arg6[%dma_start3A_261, %dma_start3A_270, %dma_start3A_271] : memref<6x128x128xf32, #tpu.memory_space<vmem>> -> memref<1x128x128xf32, #tpu.memory_space<vmem>>
    %dma_start3A_273 = tpu.memref_squeeze %dma_start3A_272 : memref<1x128x128xf32, #tpu.memory_space<vmem>> -> memref<128x128xf32, #tpu.memory_space<vmem>>
    tpu.enqueue_dma source(%dma_start3A_273 : memref<128x128xf32, #tpu.memory_space<vmem>>) target(%dma_start3A_269 : memref<128x128xf32, #tpu.memory_space<hbm>>) target_semaphore(%arg18 : memref<!tpu.dma_semaphore, #tpu.memory_space<semaphore_mem>>)
    %dma_wait3A_274 = arith.constant 0 : i32
    %dma_wait3A_275 = arith.constant 0 : i32
    %dma_wait3A_276 = arith.constant 0 : i32
    %dma_wait3A_277 = tpu.memref_slice %arg6[%dma_wait3A_274, %dma_wait3A_275, %dma_wait3A_276] : memref<6x128x128xf32, #tpu.memory_space<vmem>> -> memref<1x128x128xf32, #tpu.memory_space<vmem>>
    %dma_wait3A_278 = tpu.memref_squeeze %dma_wait3A_277 : memref<1x128x128xf32, #tpu.memory_space<vmem>> -> memref<128x128xf32, #tpu.memory_space<vmem>>
    %dma_wait3A_279 = arith.constant 25344 : i32
    %dma_wait3A_280 = tpu.memref_slice %arg5[%dma_wait3A_279] : memref<25600xi32, #tpu.memory_space<vmem>> -> memref<128xi32, #tpu.memory_space<vmem>>
    %dma_wait3A_281 = arith.constant 0 : i32
    %dma_wait3A_282 = arith.constant 0 : i32
    %dma_wait3A_283 = tpu.memref_slice %arg3[%dma_wait3A_281, %dma_wait3A_282] : memref<1000000x128xf32, #tpu.memory_space<hbm>> -> memref<1000000x128xf32, #tpu.memory_space<hbm>>
    tpu.wait_indirect_dma semaphore(%arg7 : memref<!tpu.dma_semaphore, #tpu.memory_space<semaphore_mem>>) src(%dma_wait3A_283 : memref<1000000x128xf32, #tpu.memory_space<hbm>>) dst(%dma_wait3A_278 : memref<128x128xf32, #tpu.memory_space<vmem>>)
    %add3A_284 = arith.constant 25344 : i32
    %add3A_285 = arith.addi %mul3A_2, %add3A_284 : i32
    %multiple_of3A_286 = tpu.assume_multiple %add3A_285, 128 : i32
    %dma_start3A_287 = arith.constant 0 : i32
    %dma_start3A_288 = arith.constant 0 : i32
    %dma_start3A_289 = arith.constant 0 : i32
    %dma_start3A_290 = tpu.memref_slice %arg6[%dma_start3A_287, %dma_start3A_288, %dma_start3A_289] : memref<6x128x128xf32, #tpu.memory_space<vmem>> -> memref<1x128x128xf32, #tpu.memory_space<vmem>>
    %dma_start3A_291 = tpu.memref_squeeze %dma_start3A_290 : memref<1x128x128xf32, #tpu.memory_space<vmem>> -> memref<128x128xf32, #tpu.memory_space<vmem>>
    %dma_start3A_292 = arith.constant 0 : i32
    %dma_start3A_293 = tpu.memref_slice %arg4[%multiple_of3A_286, %dma_start3A_292] : memref<819200x128xf32, #tpu.memory_space<hbm>> -> memref<128x128xf32, #tpu.memory_space<hbm>>
    %dma_start3A_294 = arith.constant 0 : i32
    %dma_start3A_295 = tpu.memref_slice %arg4[%multiple_of3A_286, %dma_start3A_294] : memref<819200x128xf32, #tpu.memory_space<hbm>> -> memref<128x128xf32, #tpu.memory_space<hbm>>
    %dma_start3A_296 = arith.constant 0 : i32
    %dma_start3A_297 = arith.constant 0 : i32
    %dma_start3A_298 = tpu.memref_slice %arg6[%dma_start3A_287, %dma_start3A_296, %dma_start3A_297] : memref<6x128x128xf32, #tpu.memory_space<vmem>> -> memref<1x128x128xf32, #tpu.memory_space<vmem>>
    %dma_start3A_299 = tpu.memref_squeeze %dma_start3A_298 : memref<1x128x128xf32, #tpu.memory_space<vmem>> -> memref<128x128xf32, #tpu.memory_space<vmem>>
    tpu.enqueue_dma source(%dma_start3A_299 : memref<128x128xf32, #tpu.memory_space<vmem>>) target(%dma_start3A_295 : memref<128x128xf32, #tpu.memory_space<hbm>>) target_semaphore(%arg13 : memref<!tpu.dma_semaphore, #tpu.memory_space<semaphore_mem>>)
    %dma_wait3A_300 = arith.constant 1 : i32
    %dma_wait3A_301 = arith.constant 0 : i32
    %dma_wait3A_302 = arith.constant 0 : i32
    %dma_wait3A_303 = tpu.memref_slice %arg6[%dma_wait3A_300, %dma_wait3A_301, %dma_wait3A_302] : memref<6x128x128xf32, #tpu.memory_space<vmem>> -> memref<1x128x128xf32, #tpu.memory_space<vmem>>
    %dma_wait3A_304 = tpu.memref_squeeze %dma_wait3A_303 : memref<1x128x128xf32, #tpu.memory_space<vmem>> -> memref<128x128xf32, #tpu.memory_space<vmem>>
    %dma_wait3A_305 = arith.constant 25472 : i32
    %dma_wait3A_306 = tpu.memref_slice %arg5[%dma_wait3A_305] : memref<25600xi32, #tpu.memory_space<vmem>> -> memref<128xi32, #tpu.memory_space<vmem>>
    %dma_wait3A_307 = arith.constant 0 : i32
    %dma_wait3A_308 = arith.constant 0 : i32
    %dma_wait3A_309 = tpu.memref_slice %arg3[%dma_wait3A_307, %dma_wait3A_308] : memref<1000000x128xf32, #tpu.memory_space<hbm>> -> memref<1000000x128xf32, #tpu.memory_space<hbm>>
    tpu.wait_indirect_dma semaphore(%arg8 : memref<!tpu.dma_semaphore, #tpu.memory_space<semaphore_mem>>) src(%dma_wait3A_309 : memref<1000000x128xf32, #tpu.memory_space<hbm>>) dst(%dma_wait3A_304 : memref<128x128xf32, #tpu.memory_space<vmem>>)
    %add3A_310 = arith.constant 25472 : i32
    %add3A_311 = arith.addi %mul3A_2, %add3A_310 : i32
    %multiple_of3A_312 = tpu.assume_multiple %add3A_311, 128 : i32
    %dma_start3A_313 = arith.constant 1 : i32
    %dma_start3A_314 = arith.constant 0 : i32
    %dma_start3A_315 = arith.constant 0 : i32
    %dma_start3A_316 = tpu.memref_slice %arg6[%dma_start3A_313, %dma_start3A_314, %dma_start3A_315] : memref<6x128x128xf32, #tpu.memory_space<vmem>> -> memref<1x128x128xf32, #tpu.memory_space<vmem>>
    %dma_start3A_317 = tpu.memref_squeeze %dma_start3A_316 : memref<1x128x128xf32, #tpu.memory_space<vmem>> -> memref<128x128xf32, #tpu.memory_space<vmem>>
    %dma_start3A_318 = arith.constant 0 : i32
    %dma_start3A_319 = tpu.memref_slice %arg4[%multiple_of3A_312, %dma_start3A_318] : memref<819200x128xf32, #tpu.memory_space<hbm>> -> memref<128x128xf32, #tpu.memory_space<hbm>>
    %dma_start3A_320 = arith.constant 0 : i32
    %dma_start3A_321 = tpu.memref_slice %arg4[%multiple_of3A_312, %dma_start3A_320] : memref<819200x128xf32, #tpu.memory_space<hbm>> -> memref<128x128xf32, #tpu.memory_space<hbm>>
    %dma_start3A_322 = arith.constant 0 : i32
    %dma_start3A_323 = arith.constant 0 : i32
    %dma_start3A_324 = tpu.memref_slice %arg6[%dma_start3A_313, %dma_start3A_322, %dma_start3A_323] : memref<6x128x128xf32, #tpu.memory_space<vmem>> -> memref<1x128x128xf32, #tpu.memory_space<vmem>>
    %dma_start3A_325 = tpu.memref_squeeze %dma_start3A_324 : memref<1x128x128xf32, #tpu.memory_space<vmem>> -> memref<128x128xf32, #tpu.memory_space<vmem>>
    tpu.enqueue_dma source(%dma_start3A_325 : memref<128x128xf32, #tpu.memory_space<vmem>>) target(%dma_start3A_321 : memref<128x128xf32, #tpu.memory_space<hbm>>) target_semaphore(%arg14 : memref<!tpu.dma_semaphore, #tpu.memory_space<semaphore_mem>>)
    %add3A_326 = arith.constant 24832 : i32
    %add3A_327 = arith.addi %mul3A_2, %add3A_326 : i32
    %multiple_of3A_328 = tpu.assume_multiple %add3A_327, 128 : i32
    %dma_wait3A_329 = arith.constant 2 : i32
    %dma_wait3A_330 = arith.constant 0 : i32
    %dma_wait3A_331 = arith.constant 0 : i32
    %dma_wait3A_332 = tpu.memref_slice %arg6[%dma_wait3A_329, %dma_wait3A_330, %dma_wait3A_331] : memref<6x128x128xf32, #tpu.memory_space<vmem>> -> memref<1x128x128xf32, #tpu.memory_space<vmem>>
    %dma_wait3A_333 = tpu.memref_squeeze %dma_wait3A_332 : memref<1x128x128xf32, #tpu.memory_space<vmem>> -> memref<128x128xf32, #tpu.memory_space<vmem>>
    %dma_wait3A_334 = arith.constant 0 : i32
    %dma_wait3A_335 = tpu.memref_slice %arg4[%multiple_of3A_328, %dma_wait3A_334] : memref<819200x128xf32, #tpu.memory_space<hbm>> -> memref<128x128xf32, #tpu.memory_space<hbm>>
    %dma_wait3A_336 = arith.constant 0 : i32
    %dma_wait3A_337 = tpu.memref_slice %arg4[%multiple_of3A_328, %dma_wait3A_336] : memref<819200x128xf32, #tpu.memory_space<hbm>> -> memref<128x128xf32, #tpu.memory_space<hbm>>
    %dma_wait3A_338 = arith.constant 0 : i32
    %dma_wait3A_339 = arith.constant 0 : i32
    %dma_wait3A_340 = tpu.memref_slice %arg6[%dma_wait3A_329, %dma_wait3A_338, %dma_wait3A_339] : memref<6x128x128xf32, #tpu.memory_space<vmem>> -> memref<1x128x128xf32, #tpu.memory_space<vmem>>
    %dma_wait3A_341 = tpu.memref_squeeze %dma_wait3A_340 : memref<1x128x128xf32, #tpu.memory_space<vmem>> -> memref<128x128xf32, #tpu.memory_space<vmem>>
    tpu.wait_dma2 semaphore(%arg15 : memref<!tpu.dma_semaphore, #tpu.memory_space<semaphore_mem>>) src(%dma_wait3A_341 : memref<128x128xf32, #tpu.memory_space<vmem>>) dst(%dma_wait3A_337 : memref<128x128xf32, #tpu.memory_space<hbm>>)
    %add3A_342 = arith.constant 24960 : i32
    %add3A_343 = arith.addi %mul3A_2, %add3A_342 : i32
    %multiple_of3A_344 = tpu.assume_multiple %add3A_343, 128 : i32
    %dma_wait3A_345 = arith.constant 3 : i32
    %dma_wait3A_346 = arith.constant 0 : i32
    %dma_wait3A_347 = arith.constant 0 : i32
    %dma_wait3A_348 = tpu.memref_slice %arg6[%dma_wait3A_345, %dma_wait3A_346, %dma_wait3A_347] : memref<6x128x128xf32, #tpu.memory_space<vmem>> -> memref<1x128x128xf32, #tpu.memory_space<vmem>>
    %dma_wait3A_349 = tpu.memref_squeeze %dma_wait3A_348 : memref<1x128x128xf32, #tpu.memory_space<vmem>> -> memref<128x128xf32, #tpu.memory_space<vmem>>
    %dma_wait3A_350 = arith.constant 0 : i32
    %dma_wait3A_351 = tpu.memref_slice %arg4[%multiple_of3A_344, %dma_wait3A_350] : memref<819200x128xf32, #tpu.memory_space<hbm>> -> memref<128x128xf32, #tpu.memory_space<hbm>>
    %dma_wait3A_352 = arith.constant 0 : i32
    %dma_wait3A_353 = tpu.memref_slice %arg4[%multiple_of3A_344, %dma_wait3A_352] : memref<819200x128xf32, #tpu.memory_space<hbm>> -> memref<128x128xf32, #tpu.memory_space<hbm>>
    %dma_wait3A_354 = arith.constant 0 : i32
    %dma_wait3A_355 = arith.constant 0 : i32
    %dma_wait3A_356 = tpu.memref_slice %arg6[%dma_wait3A_345, %dma_wait3A_354, %dma_wait3A_355] : memref<6x128x128xf32, #tpu.memory_space<vmem>> -> memref<1x128x128xf32, #tpu.memory_space<vmem>>
    %dma_wait3A_357 = tpu.memref_squeeze %dma_wait3A_356 : memref<1x128x128xf32, #tpu.memory_space<vmem>> -> memref<128x128xf32, #tpu.memory_space<vmem>>
    tpu.wait_dma2 semaphore(%arg16 : memref<!tpu.dma_semaphore, #tpu.memory_space<semaphore_mem>>) src(%dma_wait3A_357 : memref<128x128xf32, #tpu.memory_space<vmem>>) dst(%dma_wait3A_353 : memref<128x128xf32, #tpu.memory_space<hbm>>)
    %add3A_358 = arith.constant 25088 : i32
    %add3A_359 = arith.addi %mul3A_2, %add3A_358 : i32
    %multiple_of3A_360 = tpu.assume_multiple %add3A_359, 128 : i32
    %dma_wait3A_361 = arith.constant 4 : i32
    %dma_wait3A_362 = arith.constant 0 : i32
    %dma_wait3A_363 = arith.constant 0 : i32
    %dma_wait3A_364 = tpu.memref_slice %arg6[%dma_wait3A_361, %dma_wait3A_362, %dma_wait3A_363] : memref<6x128x128xf32, #tpu.memory_space<vmem>> -> memref<1x128x128xf32, #tpu.memory_space<vmem>>
    %dma_wait3A_365 = tpu.memref_squeeze %dma_wait3A_364 : memref<1x128x128xf32, #tpu.memory_space<vmem>> -> memref<128x128xf32, #tpu.memory_space<vmem>>
    %dma_wait3A_366 = arith.constant 0 : i32
    %dma_wait3A_367 = tpu.memref_slice %arg4[%multiple_of3A_360, %dma_wait3A_366] : memref<819200x128xf32, #tpu.memory_space<hbm>> -> memref<128x128xf32, #tpu.memory_space<hbm>>
    %dma_wait3A_368 = arith.constant 0 : i32
    %dma_wait3A_369 = tpu.memref_slice %arg4[%multiple_of3A_360, %dma_wait3A_368] : memref<819200x128xf32, #tpu.memory_space<hbm>> -> memref<128x128xf32, #tpu.memory_space<hbm>>
    %dma_wait3A_370 = arith.constant 0 : i32
    %dma_wait3A_371 = arith.constant 0 : i32
    %dma_wait3A_372 = tpu.memref_slice %arg6[%dma_wait3A_361, %dma_wait3A_370, %dma_wait3A_371] : memref<6x128x128xf32, #tpu.memory_space<vmem>> -> memref<1x128x128xf32, #tpu.memory_space<vmem>>
    %dma_wait3A_373 = tpu.memref_squeeze %dma_wait3A_372 : memref<1x128x128xf32, #tpu.memory_space<vmem>> -> memref<128x128xf32, #tpu.memory_space<vmem>>
    tpu.wait_dma2 semaphore(%arg17 : memref<!tpu.dma_semaphore, #tpu.memory_space<semaphore_mem>>) src(%dma_wait3A_373 : memref<128x128xf32, #tpu.memory_space<vmem>>) dst(%dma_wait3A_369 : memref<128x128xf32, #tpu.memory_space<hbm>>)
    %add3A_374 = arith.constant 25216 : i32
    %add3A_375 = arith.addi %mul3A_2, %add3A_374 : i32
    %multiple_of3A_376 = tpu.assume_multiple %add3A_375, 128 : i32
    %dma_wait3A_377 = arith.constant 5 : i32
    %dma_wait3A_378 = arith.constant 0 : i32
    %dma_wait3A_379 = arith.constant 0 : i32
    %dma_wait3A_380 = tpu.memref_slice %arg6[%dma_wait3A_377, %dma_wait3A_378, %dma_wait3A_379] : memref<6x128x128xf32, #tpu.memory_space<vmem>> -> memref<1x128x128xf32, #tpu.memory_space<vmem>>
    %dma_wait3A_381 = tpu.memref_squeeze %dma_wait3A_380 : memref<1x128x128xf32, #tpu.memory_space<vmem>> -> memref<128x128xf32, #tpu.memory_space<vmem>>
    %dma_wait3A_382 = arith.constant 0 : i32
    %dma_wait3A_383 = tpu.memref_slice %arg4[%multiple_of3A_376, %dma_wait3A_382] : memref<819200x128xf32, #tpu.memory_space<hbm>> -> memref<128x128xf32, #tpu.memory_space<hbm>>
    %dma_wait3A_384 = arith.constant 0 : i32
    %dma_wait3A_385 = tpu.memref_slice %arg4[%multiple_of3A_376, %dma_wait3A_384] : memref<819200x128xf32, #tpu.memory_space<hbm>> -> memref<128x128xf32, #tpu.memory_space<hbm>>
    %dma_wait3A_386 = arith.constant 0 : i32
    %dma_wait3A_387 = arith.constant 0 : i32
    %dma_wait3A_388 = tpu.memref_slice %arg6[%dma_wait3A_377, %dma_wait3A_386, %dma_wait3A_387] : memref<6x128x128xf32, #tpu.memory_space<vmem>> -> memref<1x128x128xf32, #tpu.memory_space<vmem>>
    %dma_wait3A_389 = tpu.memref_squeeze %dma_wait3A_388 : memref<1x128x128xf32, #tpu.memory_space<vmem>> -> memref<128x128xf32, #tpu.memory_space<vmem>>
    tpu.wait_dma2 semaphore(%arg18 : memref<!tpu.dma_semaphore, #tpu.memory_space<semaphore_mem>>) src(%dma_wait3A_389 : memref<128x128xf32, #tpu.memory_space<vmem>>) dst(%dma_wait3A_385 : memref<128x128xf32, #tpu.memory_space<hbm>>)
    %add3A_390 = arith.constant 25344 : i32
    %add3A_391 = arith.addi %mul3A_2, %add3A_390 : i32
    %multiple_of3A_392 = tpu.assume_multiple %add3A_391, 128 : i32
    %dma_wait3A_393 = arith.constant 0 : i32
    %dma_wait3A_394 = arith.constant 0 : i32
    %dma_wait3A_395 = arith.constant 0 : i32
    %dma_wait3A_396 = tpu.memref_slice %arg6[%dma_wait3A_393, %dma_wait3A_394, %dma_wait3A_395] : memref<6x128x128xf32, #tpu.memory_space<vmem>> -> memref<1x128x128xf32, #tpu.memory_space<vmem>>
    %dma_wait3A_397 = tpu.memref_squeeze %dma_wait3A_396 : memref<1x128x128xf32, #tpu.memory_space<vmem>> -> memref<128x128xf32, #tpu.memory_space<vmem>>
    %dma_wait3A_398 = arith.constant 0 : i32
    %dma_wait3A_399 = tpu.memref_slice %arg4[%multiple_of3A_392, %dma_wait3A_398] : memref<819200x128xf32, #tpu.memory_space<hbm>> -> memref<128x128xf32, #tpu.memory_space<hbm>>
    %dma_wait3A_400 = arith.constant 0 : i32
    %dma_wait3A_401 = tpu.memref_slice %arg4[%multiple_of3A_392, %dma_wait3A_400] : memref<819200x128xf32, #tpu.memory_space<hbm>> -> memref<128x128xf32, #tpu.memory_space<hbm>>
    %dma_wait3A_402 = arith.constant 0 : i32
    %dma_wait3A_403 = arith.constant 0 : i32
    %dma_wait3A_404 = tpu.memref_slice %arg6[%dma_wait3A_393, %dma_wait3A_402, %dma_wait3A_403] : memref<6x128x128xf32, #tpu.memory_space<vmem>> -> memref<1x128x128xf32, #tpu.memory_space<vmem>>
    %dma_wait3A_405 = tpu.memref_squeeze %dma_wait3A_404 : memref<1x128x128xf32, #tpu.memory_space<vmem>> -> memref<128x128xf32, #tpu.memory_space<vmem>>
    tpu.wait_dma2 semaphore(%arg13 : memref<!tpu.dma_semaphore, #tpu.memory_space<semaphore_mem>>) src(%dma_wait3A_405 : memref<128x128xf32, #tpu.memory_space<vmem>>) dst(%dma_wait3A_401 : memref<128x128xf32, #tpu.memory_space<hbm>>)
    %add3A_406 = arith.constant 25472 : i32
    %add3A_407 = arith.addi %mul3A_2, %add3A_406 : i32
    %multiple_of3A_408 = tpu.assume_multiple %add3A_407, 128 : i32
    %dma_wait3A_409 = arith.constant 1 : i32
    %dma_wait3A_410 = arith.constant 0 : i32
    %dma_wait3A_411 = arith.constant 0 : i32
    %dma_wait3A_412 = tpu.memref_slice %arg6[%dma_wait3A_409, %dma_wait3A_410, %dma_wait3A_411] : memref<6x128x128xf32, #tpu.memory_space<vmem>> -> memref<1x128x128xf32, #tpu.memory_space<vmem>>
    %dma_wait3A_413 = tpu.memref_squeeze %dma_wait3A_412 : memref<1x128x128xf32, #tpu.memory_space<vmem>> -> memref<128x128xf32, #tpu.memory_space<vmem>>
    %dma_wait3A_414 = arith.constant 0 : i32
    %dma_wait3A_415 = tpu.memref_slice %arg4[%multiple_of3A_408, %dma_wait3A_414] : memref<819200x128xf32, #tpu.memory_space<hbm>> -> memref<128x128xf32, #tpu.memory_space<hbm>>
    %dma_wait3A_416 = arith.constant 0 : i32
    %dma_wait3A_417 = tpu.memref_slice %arg4[%multiple_of3A_408, %dma_wait3A_416] : memref<819200x128xf32, #tpu.memory_space<hbm>> -> memref<128x128xf32, #tpu.memory_space<hbm>>
    %dma_wait3A_418 = arith.constant 0 : i32
    %dma_wait3A_419 = arith.constant 0 : i32
    %dma_wait3A_420 = tpu.memref_slice %arg6[%dma_wait3A_409, %dma_wait3A_418, %dma_wait3A_419] : memref<6x128x128xf32, #tpu.memory_space<vmem>> -> memref<1x128x128xf32, #tpu.memory_space<vmem>>
    %dma_wait3A_421 = tpu.memref_squeeze %dma_wait3A_420 : memref<1x128x128xf32, #tpu.memory_space<vmem>> -> memref<128x128xf32, #tpu.memory_space<vmem>>
    tpu.wait_dma2 semaphore(%arg14 : memref<!tpu.dma_semaphore, #tpu.memory_space<semaphore_mem>>) src(%dma_wait3A_421 : memref<128x128xf32, #tpu.memory_space<vmem>>) dst(%dma_wait3A_417 : memref<128x128xf32, #tpu.memory_space<hbm>>)
    return
  }
}

</mosaic_0001>

<sc_bundles>
// kernel: kernel.3.cloned.1.call-start
scs
__scs_entry_jumppad:
0x0: {  	(pc) =	sbr.rel $0x88, $3  }
0x1: {  	(tag) =	ssettag $0x0;
	lr =	simm.s32 $0x1  }
0x2: {  	[smem:$0x3F9F] =	sst lr;
	_ =	strace $0xD0000000  }
0x3: {  	_ = 	snop  }
0x4: {  	_ = 	snop  }
0x5: {  	_ = 	snop  }
0x6: {  	_ = 	snop  }
0x7: {  	_ = 	snop  }
__scs_overlays_trampoline_lowered:
0x8: {  	[smem:$0x3FAE] =	sst s0  }
0x9: {  	[smem:$0x3FAF] =	sst s1  }
0xa: {  	[smem:$0x3FB0] =	sst s2  }
0xb: {  	[smem:$0x3FB1] =	sst s3  }
0xc: {  	[smem:$0x3FB2] =	sst s4  }
0xd: {  	[smem:$0x3FB3] =	sst s5  }
0xe: {  	[smem:$0x3FB4] =	sst s6  }
0xf: {  	[smem:$0x3FB5] =	sst s7  }
0x10: {  	[smem:$0x3FB6] =	sst s8  }
0x11: {  	[smem:$0x3FB7] =	sst s9;
	s0 =	simm.s32 @!p0 $0x0  }
0x12: {  	s1 =	sld [smem:$0x3F9D];
	s0 =	simm.s32 @p0 $0x1  }
0x13: {  	[smem:$0x3FB8] =	sst s0;
	s0 =	simm.s32 @!p1 $0x0  }
0x14: {  	s2 =	sld [smem:$0x3F9C];
	s0 =	simm.s32 @p1 $0x1  }
0x15: {  	[smem:$0x3FB9] =	sst s0;
	s0 =	simm.s32 @!p2 $0x0  }
0x16: {  	s3 =	sld [smem:$0x3FDB];
	s0 =	simm.s32 @p2 $0x1  }
0x17: {  	s4 =	simm.s32 $0x1BF5;
	[smem:$0x3FBB] =	sst s0  }
0x18: {  	s0 =	sld [smem:$0x3F9E];
	_ =	swait.ge [sflag:s4], $0x0  }
0x19: {  	s7 =	sld [smem:$0x3F9F]  }
0x1a: {  	s8 =	sadd.s32 $0xFFFFE003, lr  }
0x1b: {  	s9 =	sadd.s32 $0xFFFFFEF7, lr;
	s5 =	simm.s32 $0xFFFFFFFF;
	p2 =	slt.u32 s8, $0xFFFFF086  }
0x1c: {  	p1 =	slt.u32 s9, $0xF7A;
	s5 =	simm.s32 @!p2 $0x0  }
0x1d: {  	s5 =	simm.s32 @p1 $0x1;
	p0 =	seq.s32 s7, s2  }
0x1e: {  	s7 =	smul.u32 @!p0 $0xF7A, s2;
	p2 =	seq.s32 @!p0 s5, $0x0  }
0x1f: {  	s9 =	smul.u32 $0xF7A, s1;
	s8 =	simm.s32 @!p0 $0x1BF5;
	p2 =	por !p2, p0  }
0x20: {  	[sflag:s8] =	ssyncset.s32 @!p0 $0xFFFFF086;
	s6 =	sadd.s32 @!p0 s3, s7;
	s7 =	simm.s32 @!p0 $0x108  }
0x21: {  	s3 =	sadd.s32 s3, s9;
	s6 =	sadd.s32 @!p0 $0x88, s6;
	s7 =	simm.s32 @p2 $0x1082  }
0x22: {  	[simem:s7], [sflag:s8] =	dma.local @!p0 [hbm:s6], $0xF7A  }
0x23: {  	s9 =	sor.u32 $0xD0000000, s2;
	s6 =	simm.s32 $0x108;
	_ =	swait.ge @!p0 [sflag:s8], $0x0  }
0x24: {  	s3 =	sadd.s32 $0x88, s3;
	s6 =	simm.s32 @!p1 $0x1082;
	[sflag:s4] =	ssyncset.s32 $0xFFFFF086  }
0x25: {  	[simem:s6], [sflag:s4] =	dma.local [hbm:s3], $0xF7A  }
0x26: {  	[smem:$0x3F9F] =	sst s1;
	(tag) =	ssettag s2;
	_ =	strace s9  }
0x27: {  	s1 =	sld [smem:$0x3FAF]  }
0x28: {  	s2 =	sld [smem:$0x3FB0]  }
0x29: {  	s4 =	sld [smem:$0x3FB2]  }
0x2a: {  	p0 =	seq.s32 s5, $0x0;
	s5 =	sld [smem:$0x3FB3]  }
0x2b: {  	s6 =	sld [smem:$0x3FB4]  }
0x2c: {  	s7 =	sld [smem:$0x3FB5]  }
0x2d: {  	s3 =	simm.s32 $0x108;
	s8 =	sld [smem:$0x3FB6]  }
0x2e: {  	s3 =	simm.s32 @!p0 $0x1082;
	s9 =	sld [smem:$0x3FB7]  }
0x2f: {  	lr =	sadd.s32 s0, s3;
	s0 =	sld [smem:$0x3FAE]  }
0x30: {  	s3 =	sld [smem:$0x3FB1]  }
0x31: {  	[smem:$0x3FBA] =	sst s10  }
0x32: {  	s10 =	sld [smem:$0x3FB8];
	_ =	sdelay $0x3  }
0x33: {  	p0 =	seq.s32 s10, $0x1;
	s10 =	sld [smem:$0x3FBA];
	_ =	sdelay $0x3  }
0x34: {  	[smem:$0x3FBA] =	sst s10  }
0x35: {  	s10 =	sld [smem:$0x3FB9];
	_ =	sdelay $0x3  }
0x36: {  	p1 =	seq.s32 s10, $0x1;
	s10 =	sld [smem:$0x3FBA];
	_ =	sdelay $0x3  }
0x37: {  	[smem:$0x3FBA] =	sst s10  }
0x38: {  	s10 =	sld [smem:$0x3FBB]  }
0x39: {  	_ = 	snop;
	(pc) =	sbr.ind lr, $3  }
0x3a: {  	_ = 	snop  }
0x3b: {  	_ = 	snop  }
0x3c: {  	p2 =	seq.s32 s10, $0x1;
	s10 =	sld [smem:$0x3FBA]  }
0x3d: {  	_ =	shalt  }
0x3e: {  	_ =	shalt  }
0x3f: {  	_ =	shalt  }
0x40: {  	_ =	shalt  }
0x41: {  	_ =	shalt  }
0x42: {  	_ =	shalt  }
0x43: {  	_ =	shalt  }
0x44: {  	_ =	shalt  }
0x45: {  	_ =	shalt  }
0x46: {  	_ =	shalt  }
0x47: {  	_ =	shalt  }
0x48: {  	_ =	shalt  }
0x49: {  	_ =	shalt  }
0x4a: {  	_ =	shalt  }
0x4b: {  	_ =	shalt  }
0x4c: {  	_ =	shalt  }
0x4d: {  	_ =	shalt  }
0x4e: {  	_ =	shalt  }
0x4f: {  	_ =	shalt  }
0x50: {  	_ =	shalt  }
0x51: {  	_ =	shalt  }
0x52: {  	_ =	shalt  }
0x53: {  	_ =	shalt  }
0x54: {  	_ =	shalt  }
0x55: {  	_ =	shalt  }
0x56: {  	_ =	shalt  }
0x57: {  	_ =	shalt  }
0x58: {  	_ =	shalt  }
0x59: {  	_ =	shalt  }
0x5a: {  	_ =	shalt  }
0x5b: {  	_ =	shalt  }
0x5c: {  	_ =	shalt  }
0x5d: {  	_ =	shalt  }
0x5e: {  	_ =	shalt  }
0x5f: {  	_ =	shalt  }
0x60: {  	_ =	shalt  }
0x61: {  	_ =	shalt  }
0x62: {  	_ =	shalt  }
0x63: {  	_ =	shalt  }
0x64: {  	_ =	shalt  }
0x65: {  	_ =	shalt  }
0x66: {  	_ =	shalt  }
0x67: {  	_ =	shalt  }
0x68: {  	_ =	shalt  }
0x69: {  	_ =	shalt  }
0x6a: {  	_ =	shalt  }
0x6b: {  	_ =	shalt  }
0x6c: {  	_ =	shalt  }
0x6d: {  	_ =	shalt  }
0x6e: {  	_ =	shalt  }
0x6f: {  	_ =	shalt  }
0x70: {  	_ =	shalt  }
0x71: {  	_ =	shalt  }
0x72: {  	_ =	shalt  }
0x73: {  	_ =	shalt  }
0x74: {  	_ =	shalt  }
0x75: {  	_ =	shalt  }
0x76: {  	_ =	shalt  }
0x77: {  	_ =	shalt  }
0x78: {  	_ =	shalt  }
0x79: {  	_ =	shalt  }
0x7a: {  	_ =	shalt  }
0x7b: {  	_ =	shalt  }
0x7c: {  	_ =	shalt  }
0x7d: {  	_ =	shalt  }
0x7e: {  	_ =	shalt  }
0x7f: {  	_ =	shalt  }
0x80: {  	_ =	shalt  }
0x81: {  	_ =	shalt  }
0x82: {  	_ =	shalt  }
0x83: {  	_ =	shalt  }
0x84: {  	_ =	shalt  }
0x85: {  	_ =	shalt  }
0x86: {  	_ =	shalt  }
0x87: {  	_ =	shalt  }
.Lfunc_end0:
.L_simem_size_0:
called_computation.1_lowered:
.L_overlay_start_0:
0x88: {  	s2 =	sld [smem:$0x3FD9]  }
0x89: {  	s3 =	sld [smem:$0x3FFE];
	_ =	sdelay $0x1  }
0x8a: {  	s1 =	srdreg.scid  }
0x8b: {  	s0 =	sand.u32 $0x1, s1  }
0x8c: {  	s17 =	sshll.u32 s0, $0xA;
	s2 =	sadd.s32 s3, s2  }
0x8d: {  	s2 =	sadd.s32 s2, s17  }
0x8e: {  	[smem:$0x3FC6] =	sst s2  }
0x8f: {  	_ = 	snop  }
0x90: {  	s2 =	sld [smem:$0x3FD0];
	(tm) =	ssettm $0x1  }
0x91: {  	s18 =	sld [smem:$0x3FFB];
	_ =	sdelay $0x3  }
0x92: {  	_ =	strace s18  }
0x93: {  	s3 =	sld [smem:$0x3FFC];
	_ =	sdelay $0x3  }
0x94: {  	_ =	strace s3  }
0x95: {  	s3 =	sld [smem:$0x3FFD];
	_ =	sdelay $0x3  }
0x96: {  	_ =	strace s3  }
0x97: {  	_ =	strace $0x8FFFFFFF  }
0x98: {  	s19 =	sld [smem:$0x3FDB];
	_ =	sdelay $0x1  }
0x99: {  	s4 =	simm.s32 $_scs_section_size  }
0x9a: {  	s5 =	simm.s32 $_size__tile_overlayer_lowered;
	s6 =	simm.s32 $_tile_overlayer_lowered  }
0x9b: {  	s22 =	simm.s32 $0x1BFF;
	s21 =	sshll.u32 s6, $0x1;
	s3 =	sadd.s32 s4, s19  }
0x9c: {  	s7 =	simm.s32 $0x0;
	s20 =	sshll.u32 s5, $0x1;
	s5 =	sadd.s32 s21, s3  }
0x9d: {  	[timem:s7], [sflag:s22] =	dma.local [hbm:s5], s20  }
0x9e: {  	_ =	swait.ge [sflag:s22], s20  }
0x9f: {  	s4 =	ssub.s32 $0x0, s20;
	[sflag:s22] =	ssyncset.done $0x0  }
0xa0: {  	[sflag:s22] =	ssyncadd.s32 s4;
	_ =	sdelay $0x1  }
0xa1: {  	s23 =	simm.s32 $0x1B8B  }
0xa2: {  	_ =	swait.ge [sflag:s23], $0x1  }
0xa3: {  	[sflag:s23] =	ssyncset.done $0x0  }
0xa4: {  	s25 =	simm.s32 $0x1B8E;
	s24 =	sld [smem:$0x3FFE];
	[sflag:s23] =	ssyncadd.s32 $0xFFFFFFFF  }
0xa5: {  	s26 =	simm.s32 $execute0_lowered;
	[smem:$0x3FD2] =	sst s25  }
0xa6: {  	s5 =	sshll.u32 s26, $0x1;
	_ =	strace $0x80000046;
	[dreg:$0x1] =	wrdreg $0xFFFFFFFF  }
0xa7: {  	s28 =	simm.s32 $_size_execute0_lowered;
	s3 =	sadd.s32 s3, s5;
	[dreg:$0x0] =	wrdreg $0x0  }
0xa8: {  	s5 =	sshll.u32 s28, $0x1;
	[dreg:$0x2] =	wrdreg s3  }
0xa9: {  	[dreg:$0x3] =	wrdreg s5  }
0xaa: {  	[dreg:$0x4] =	wrdreg $0xC0  }
0xab: {  	_ =	task [dreg:s7], $0x5FFFF  }
0xac: {  	[dreg:$0x1] =	wrdreg $0xFFFFFFFF  }
0xad: {  	[dreg:$0x0] =	wrdreg $0x60  }
0xae: {  	[dreg:$0x2] =	wrdreg s2  }
0xaf: {  	[dreg:$0x3] =	wrdreg s24  }
0xb0: {  	[dreg:$0x4] =	wrdreg $0x9  }
0xb1: {  	_ =	task.clear_ibuf [dreg:s7], $0x5FFFF;
	_ =	strace $0x90000046  }
0xb2: {  	s29 =	simm.s32 $0x9;
	_ =	strace $0x80000048  }
0xb3: {  	_ =	swait.ge [sflag:s29], $0x1  }
0xb4: {  	[sflag:s29] =	ssyncadd.s32 $0xFFFFFFFF  }
0xb5: {  	_ =	strace $0x90000048  }
0xb6: {  	_ =	sfence  }
0xb7: {  	s30 =	sld [smem:$0x0];
	_ =	sdelay $0x2  }
0xb8: {  	s31 =	sshll.u32 s1, $0xD;
	s1 =	sshrl.u32 s1, $0x2  }
0xb9: {  	s3 =	sand.u32 $0x4000, s31;
	s1 =	sadd.s32 s1, s30  }
0xba: {  	s0 =	sor.u32 s3, s0;
	s1 =	sshll.u32 s1, $0x11  }
0xbb: {  	s0 =	sor.u32 s1, s0  }
0xbc: {  	s0 =	sadd.s32 $0x8F2B, s0  }
0xbd: {  	[sflag:s0] =	ssyncadd.remote.s32 $0x1  }
0xbe: {  	_ =	sfence.sel $0xFFFF  }
0xbf: {  	[dreg:$0x0] =	wrdreg $0xFFFFFFFF;
	(pc) =	sbr.abs _section_cstart, $3  }
0xc0: {  	[dreg:$0x1] =	wrdreg $0xFFFFFFFF  }
0xc1: {  	_ =	task.clear_ibuf [dreg:s7], $0x2FFFF;
	_ =	strace $0x9FFFFFFF  }
0xc2: {  	(tm) =	ssettm $0x7FFFFFFF  }
0xc3: {  	_ =	shalt  }
tec
execute0_lowered:
.L_overlay_start_1:
0x0: {  	(tag) =	ssettag $0x1  }
0x1: {  	s0 =	rddreg [dreg:$0x0]  }
0x2: {  	s1 =	rddreg [dreg:$0x1];
	s2 =	simm.s32 $0x0;
	s3 =	srdreg.scid  }
0x3: {  	s11 =	stileid.u32;
	s15 =	simm.s32 $0xD;
	s16 =	simm.s32 $0x80  }
0x4: {  	s17 =	simm.s32 $0x6400;
	s18 =	simm.s32 $0xA400;
	s28 =	simm.s32 $0x1A400  }
0x5: {  	s29 =	simm.s32 $0x2;
	s30 =	simm.s32 $0x7;
	s31 =	simm.s32 $0xA  }
0x6: {  	s4 =	sand.u32 $0x1, s3;
	s19 =	sshll.u32 s11, $0x1;
	s22 =	smul.u32 $0xC8000, s11  }
0x7: {  	s5 =	sor.u32 s4, s19;
	s7 =	ssub.s32 $0x2, s4;
	s4 =	smul.u32 $0x64000, s4  }
0x8: {  	[smem:$0x7FF] =	sst s2;
	s3 =	sadd.s32 $0xF42E00, s1;
	s6 =	smul.u32 $0x6400, s5  }
0x9: {  	s1 =	sadd.s32 $0xA00, s1;
	_ =	strace $0x80000047;
	s8 =	smul.u32 $0x64000, s5  }
0xa: {  	s19 =	simm.s32 $0x6;
	s9 =	sshrl.u32 s7, $0x1;
	s10 =	smul.u32 $0x320000, s5  }
0xb: {  	s7 =	ssub.s32 s7, s9;
	s6 =	sshrl.u32 s6, $0x3;
	s5 =	sadd.s32 s1, s8  }
0xc: {  	s21 =	sshrl.u32 s10, $0x3;
	s13 =	smax.u32 s7, $0x1;
	s0 =	sadd.s32 s0, s6  }
0xd: {  	s7 =	simm.s32 $0x0;
	s20 =	sadd.s32 $0x800, s5;
	[dreg:$0x3] =	wrdreg s0  }
0xe: {  	s8 =	sadd.s32 $0x1000, s5;
	s23 =	sadd.s32 $0x1800, s5;
	[dreg:$0x4] =	wrdreg s20  }
0xf: {  	s6 =	simm.s32 $0xC;
	[dreg:$0x5] =	wrdreg s8;
	s0 =	sadd.s32 s1, s21  }
0x10: {  	[dreg:$0x6] =	wrdreg s23;
	s1 =	sadd.s32 s22, s1;
	s20 =	simm.s32 $0xE400  }
0x11: {  	s22 =	simm.s32 $0x12400;
	s21 =	simm.s32 $0x4;
	s23 =	simm.s32 $0x9  }
0x12: {  	s24 =	sadd.s32 $0x62000, s0;
	s25 =	sadd.s32 $0x62800, s0;
	s26 =	sadd.s32 $0x63000, s0  }
0x13: {  	s1 =	sadd.s32 s4, s1;
	s12 =	sadd.s32 $0x63800, s0;
	[dreg:$0x7] =	wrdreg s24  }
0x14: {  	s0 =	simm.s32 $0x3;
	s4 =	simm.s32 $0xB;
	[dreg:$0x8] =	wrdreg s25  }
0x15: {  	[dreg:$0x9] =	wrdreg s26;
	s14 =	sadd.s32 $0x2800, s1;
	s24 =	simm.s32 $0x16400  }
0x16: {  	s25 =	simm.s32 $0x1;
	s1 =	simm.s32 $0x8;
	s26 =	simm.s32 $0x5  }
.LBB2_1:
0x17: {  	s8 =	rddreg [dreg:$0x3]  }
0x18: {  	[tilespmem:s2], [sflag:$0xD] =	stream.linear.gather [hbm4b:s8+s2], $0x6400, $0x38;
	[tilespmem:$0x1E400] =	vst v63  }
0x19: {  	_ =	swait.ge [sflag:s15], $0x6400  }
0x1a: {  	[sflag:s15] =	ssyncset.done $0x0  }
0x1b: {  	[sflag:s15] =	ssyncadd.s32 $0xFFFF9C00  }
0x1c: {  	[tilespmem:s17], [sflag:$0x1] =	stream.indirect.gather [hbm4b:s3+s16], $0x80, s2, s16, $0xb8;
	[tilespmem:$0x1E400] =	vst v63  }
0x1d: {  	_ = 	snop  }
0x1e: {  	[tilespmem:s18], [sflag:$0x2] =	stream.indirect.gather [hbm4b:s3+s16], $0x80, s16, s16, $0xb8;
	[tilespmem:$0x1E400] =	vst v63  }
0x1f: {  	s11 =	simm.s32 $0x100  }
0x20: {  	[tilespmem:s20], [sflag:$0x3] =	stream.indirect.gather [hbm4b:s3+s16], $0x80, s11, s16, $0xb8;
	[tilespmem:$0x1E400] =	vst v63  }
0x21: {  	s9 =	simm.s32 $0x180  }
0x22: {  	[tilespmem:s22], [sflag:$0x4] =	stream.indirect.gather [hbm4b:s3+s16], $0x80, s9, s16, $0xb8;
	[tilespmem:$0x1E400] =	vst v63  }
0x23: {  	s10 =	simm.s32 $0x200  }
0x24: {  	[tilespmem:s24], [sflag:$0x5] =	stream.indirect.gather [hbm4b:s3+s16], $0x80, s10, s16, $0xb8;
	[tilespmem:$0x1E400] =	vst v63  }
0x25: {  	_ =	swait.ge [sflag:s25], $0x4000  }
0x26: {  	[sflag:s25] =	ssyncset.done $0x0  }
0x27: {  	[sflag:s25] =	ssyncadd.s32 $0xFFFFC000  }
0x28: {  	[hbm4b:s5+s2] =	stream.linear.scatter [tilespmem:s17], [sflag:$0x7], $0x4000, $0x38;
	[tilespmem:$0x1E400] =	vst v63  }
0x29: {  	s11 =	simm.s32 $0x280  }
0x2a: {  	[tilespmem:s28], [sflag:$0x6] =	stream.indirect.gather [hbm4b:s3+s16], $0x80, s11, s16, $0xb8;
	[tilespmem:$0x1E400] =	vst v63  }
0x2b: {  	_ =	swait.ge [sflag:s29], $0x4000  }
0x2c: {  	[sflag:s29] =	ssyncset.done $0x0  }
0x2d: {  	s9 =	rddreg [dreg:$0x4];
	[sflag:s29] =	ssyncadd.s32 $0xFFFFC000  }
0x2e: {  	[hbm4b:s9+s2] =	stream.linear.scatter [tilespmem:s18], [sflag:$0x8], $0x4000, $0x38;
	[tilespmem:$0x1E400] =	vst v63  }
0x2f: {  	_ =	swait.ge [sflag:s30], $0x4000  }
0x30: {  	[sflag:s30] =	ssyncset.done $0x0  }
0x31: {  	s10 =	simm.s32 $0x300;
	[sflag:s30] =	ssyncadd.s32 $0xFFFFC000  }
0x32: {  	[tilespmem:s17], [sflag:$0x1] =	stream.indirect.gather [hbm4b:s3+s16], $0x80, s10, s16, $0xb8;
	[tilespmem:$0x1E400] =	vst v63  }
0x33: {  	_ =	swait.ge [sflag:s0], $0x4000  }
0x34: {  	[sflag:s0] =	ssyncset.done $0x0  }
0x35: {  	s11 =	rddreg [dreg:$0x5];
	[sflag:s0] =	ssyncadd.s32 $0xFFFFC000  }
0x36: {  	[hbm4b:s11+s2] =	stream.linear.scatter [tilespmem:s20], [sflag:$0x9], $0x4000, $0x38;
	[tilespmem:$0x1E400] =	vst v63  }
0x37: {  	_ =	swait.ge [sflag:s1], $0x4000  }
0x38: {  	[sflag:s1] =	ssyncset.done $0x0  }
0x39: {  	s9 =	simm.s32 $0x380;
	[sflag:s1] =	ssyncadd.s32 $0xFFFFC000  }
0x3a: {  	[tilespmem:s18], [sflag:$0x2] =	stream.indirect.gather [hbm4b:s3+s16], $0x80, s9, s16, $0xb8;
	[tilespmem:$0x1E400] =	vst v63  }
0x3b: {  	_ =	swait.ge [sflag:s21], $0x4000  }
0x3c: {  	[sflag:s21] =	ssyncset.done $0x0  }
0x3d: {  	s10 =	rddreg [dreg:$0x6];
	[sflag:s21] =	ssyncadd.s32 $0xFFFFC000  }
0x3e: {  	[hbm4b:s10+s2] =	stream.linear.scatter [tilespmem:s22], [sflag:$0xA], $0x4000, $0x38;
	[tilespmem:$0x1E400] =	vst v63  }
0x3f: {  	_ =	swait.ge [sflag:s23], $0x4000  }
0x40: {  	[sflag:s23] =	ssyncset.done $0x0  }
0x41: {  	s11 =	simm.s32 $0x400;
	[sflag:s23] =	ssyncadd.s32 $0xFFFFC000  }
0x42: {  	[tilespmem:s20], [sflag:$0x3] =	stream.indirect.gather [hbm4b:s3+s16], $0x80, s11, s16, $0xb8;
	[tilespmem:$0x1E400] =	vst v63  }
0x43: {  	_ =	swait.ge [sflag:s26], $0x4000  }
0x44: {  	[sflag:s26] =	ssyncset.done $0x0  }
0x45: {  	s9 =	sadd.s32 $0xFFFFF800, s14;
	[sflag:s26] =	ssyncadd.s32 $0xFFFFC000  }
0x46: {  	[hbm4b:s9+s2] =	stream.linear.scatter [tilespmem:s24], [sflag:$0xB], $0x4000, $0x38;
	[tilespmem:$0x1E400] =	vst v63  }
0x47: {  	_ =	swait.ge [sflag:s31], $0x4000  }
0x48: {  	[sflag:s31] =	ssyncset.done $0x0  }
0x49: {  	s10 =	simm.s32 $0x480;
	[sflag:s31] =	ssyncadd.s32 $0xFFFFC000  }
0x4a: {  	[tilespmem:s22], [sflag:$0x4] =	stream.indirect.gather [hbm4b:s3+s16], $0x80, s10, s16, $0xb8;
	[tilespmem:$0x1E400] =	vst v63  }
0x4b: {  	_ =	swait.ge [sflag:s19], $0x4000  }
0x4c: {  	[sflag:s19] =	ssyncset.done $0x0  }
0x4d: {  	[sflag:s19] =	ssyncadd.s32 $0xFFFFC000  }
0x4e: {  	[hbm4b:s14+s2] =	stream.linear.scatter [tilespmem:s28], [sflag:$0xC], $0x4000, $0x38;
	[tilespmem:$0x1E400] =	vst v63  }
0x4f: {  	_ =	swait.ge [sflag:s4], $0x4000  }
0x50: {  	[sflag:s4] =	ssyncset.done $0x0  }
0x51: {  	s11 =	simm.s32 $0x500;
	[sflag:s4] =	ssyncadd.s32 $0xFFFFC000  }
0x52: {  	[tilespmem:s24], [sflag:$0x5] =	stream.indirect.gather [hbm4b:s3+s16], $0x80, s11, s16, $0xb8;
	[tilespmem:$0x1E400] =	vst v63  }
0x53: {  	_ =	swait.ge [sflag:s25], $0x4000  }
0x54: {  	[sflag:s25] =	ssyncset.done $0x0  }
0x55: {  	s9 =	sadd.s32 $0x800, s14;
	[sflag:s25] =	ssyncadd.s32 $0xFFFFC000  }
0x56: {  	[hbm4b:s9+s2] =	stream.linear.scatter [tilespmem:s17], [sflag:$0x7], $0x4000, $0x38;
	[tilespmem:$0x1E400] =	vst v63  }
0x57: {  	_ =	swait.ge [sflag:s6], $0x4000  }
0x58: {  	[sflag:s6] =	ssyncset.done $0x0  }
0x59: {  	s10 =	simm.s32 $0x580;
	[sflag:s6] =	ssyncadd.s32 $0xFFFFC000  }
0x5a: {  	[tilespmem:s28], [sflag:$0x6] =	stream.indirect.gather [hbm4b:s3+s16], $0x80, s10, s16, $0xb8;
	[tilespmem:$0x1E400] =	vst v63  }
0x5b: {  	_ =	swait.ge [sflag:s29], $0x4000  }
0x5c: {  	[sflag:s29] =	ssyncset.done $0x0  }
0x5d: {  	s11 =	sadd.s32 $0x1000, s14;
	[sflag:s29] =	ssyncadd.s32 $0xFFFFC000  }
0x5e: {  	[hbm4b:s11+s2] =	stream.linear.scatter [tilespmem:s18], [sflag:$0x8], $0x4000, $0x38;
	[tilespmem:$0x1E400] =	vst v63  }
0x5f: {  	_ =	swait.ge [sflag:s30], $0x4000  }
0x60: {  	[sflag:s30] =	ssyncset.done $0x0  }
0x61: {  	s9 =	simm.s32 $0x600;
	[sflag:s30] =	ssyncadd.s32 $0xFFFFC000  }
0x62: {  	[tilespmem:s17], [sflag:$0x1] =	stream.indirect.gather [hbm4b:s3+s16], $0x80, s9, s16, $0xb8;
	[tilespmem:$0x1E400] =	vst v63  }
0x63: {  	_ =	swait.ge [sflag:s0], $0x4000  }
0x64: {  	[sflag:s0] =	ssyncset.done $0x0  }
0x65: {  	s10 =	sadd.s32 $0x1800, s14;
	[sflag:s0] =	ssyncadd.s32 $0xFFFFC000  }
0x66: {  	[hbm4b:s10+s2] =	stream.linear.scatter [tilespmem:s20], [sflag:$0x9], $0x4000, $0x38;
	[tilespmem:$0x1E400] =	vst v63  }
0x67: {  	_ =	swait.ge [sflag:s1], $0x4000  }
0x68: {  	[sflag:s1] =	ssyncset.done $0x0  }
0x69: {  	s11 =	simm.s32 $0x680;
	[sflag:s1] =	ssyncadd.s32 $0xFFFFC000  }
0x6a: {  	[tilespmem:s18], [sflag:$0x2] =	stream.indirect.gather [hbm4b:s3+s16], $0x80, s11, s16, $0xb8;
	[tilespmem:$0x1E400] =	vst v63  }
0x6b: {  	_ =	swait.ge [sflag:s21], $0x4000  }
0x6c: {  	s8 =	simm.s32 $0xC00;
	[sflag:s21] =	ssyncset.done $0x0  }
0x6d: {  	s9 =	sadd.s32 $0x3000, s14;
	s10 =	sadd.s32 $0x2000, s14;
	[sflag:s21] =	ssyncadd.s32 $0xFFFFC000  }
.LBB2_2:
0x6e: {  	[hbm4b:s10+s2] =	stream.linear.scatter [tilespmem:s22], [sflag:$0xA], $0x4000, $0x38;
	[tilespmem:$0x1E400] =	vst v63  }
0x6f: {  	s10 =	smov.u32 s8  }
0x70: {  	p0 =	sne.s32 s8, $0x17400;
	s8 =	sadd.s32 $0xC00, s8;
	_ =	swait.ge [sflag:s23], $0x4000  }
0x71: {  	s10 =	sshra.s32 s10, $0x2;
	[sflag:s23] =	ssyncset.done $0x0  }
0x72: {  	s11 =	sadd.s32 $0x400, s10;
	[sflag:s23] =	ssyncadd.s32 $0xFFFFC000  }
0x73: {  	[tilespmem:s20], [sflag:$0x3] =	stream.indirect.gather [hbm4b:s3+s16], $0x80, s11, s16, $0xb8;
	[tilespmem:$0x1E400] =	vst v63  }
0x74: {  	_ =	swait.ge [sflag:s26], $0x4000  }
0x75: {  	[sflag:s26] =	ssyncset.done $0x0  }
0x76: {  	s11 =	sadd.s32 $0xFFFFF800, s9;
	[sflag:s26] =	ssyncadd.s32 $0xFFFFC000  }
0x77: {  	[hbm4b:s11+s2] =	stream.linear.scatter [tilespmem:s24], [sflag:$0xB], $0x4000, $0x38;
	[tilespmem:$0x1E400] =	vst v63  }
0x78: {  	_ =	swait.ge [sflag:s31], $0x4000  }
0x79: {  	[sflag:s31] =	ssyncset.done $0x0  }
0x7a: {  	s11 =	sadd.s32 $0x480, s10;
	[sflag:s31] =	ssyncadd.s32 $0xFFFFC000  }
0x7b: {  	[tilespmem:s22], [sflag:$0x4] =	stream.indirect.gather [hbm4b:s3+s16], $0x80, s11, s16, $0xb8;
	[tilespmem:$0x1E400] =	vst v63  }
0x7c: {  	_ =	swait.ge [sflag:s19], $0x4000  }
0x7d: {  	[sflag:s19] =	ssyncset.done $0x0  }
0x7e: {  	[sflag:s19] =	ssyncadd.s32 $0xFFFFC000  }
0x7f: {  	[hbm4b:s9+s2] =	stream.linear.scatter [tilespmem:s28], [sflag:$0xC], $0x4000, $0x38;
	[tilespmem:$0x1E400] =	vst v63  }
0x80: {  	_ =	swait.ge [sflag:s4], $0x4000  }
0x81: {  	[sflag:s4] =	ssyncset.done $0x0  }
0x82: {  	s11 =	sadd.s32 $0x500, s10;
	[sflag:s4] =	ssyncadd.s32 $0xFFFFC000  }
0x83: {  	[tilespmem:s24], [sflag:$0x5] =	stream.indirect.gather [hbm4b:s3+s16], $0x80, s11, s16, $0xb8;
	[tilespmem:$0x1E400] =	vst v63  }
0x84: {  	_ =	swait.ge [sflag:s25], $0x4000  }
0x85: {  	[sflag:s25] =	ssyncset.done $0x0  }
0x86: {  	s11 =	sadd.s32 $0x800, s9;
	[sflag:s25] =	ssyncadd.s32 $0xFFFFC000  }
0x87: {  	[hbm4b:s11+s2] =	stream.linear.scatter [tilespmem:s17], [sflag:$0x7], $0x4000, $0x38;
	[tilespmem:$0x1E400] =	vst v63  }
0x88: {  	_ =	swait.ge [sflag:s6], $0x4000  }
0x89: {  	[sflag:s6] =	ssyncset.done $0x0  }
0x8a: {  	s11 =	sadd.s32 $0x580, s10;
	[sflag:s6] =	ssyncadd.s32 $0xFFFFC000  }
0x8b: {  	[tilespmem:s28], [sflag:$0x6] =	stream.indirect.gather [hbm4b:s3+s16], $0x80, s11, s16, $0xb8;
	[tilespmem:$0x1E400] =	vst v63  }
0x8c: {  	_ =	swait.ge [sflag:s29], $0x4000  }
0x8d: {  	[sflag:s29] =	ssyncset.done $0x0  }
0x8e: {  	s11 =	sadd.s32 $0x1000, s9;
	[sflag:s29] =	ssyncadd.s32 $0xFFFFC000  }
0x8f: {  	[hbm4b:s11+s2] =	stream.linear.scatter [tilespmem:s18], [sflag:$0x8], $0x4000, $0x38;
	[tilespmem:$0x1E400] =	vst v63  }
0x90: {  	_ =	swait.ge [sflag:s30], $0x4000  }
0x91: {  	[sflag:s30] =	ssyncset.done $0x0  }
0x92: {  	s11 =	sadd.s32 $0x600, s10;
	[sflag:s30] =	ssyncadd.s32 $0xFFFFC000  }
0x93: {  	[tilespmem:s17], [sflag:$0x1] =	stream.indirect.gather [hbm4b:s3+s16], $0x80, s11, s16, $0xb8;
	[tilespmem:$0x1E400] =	vst v63  }
0x94: {  	_ =	swait.ge [sflag:s0], $0x4000  }
0x95: {  	[sflag:s0] =	ssyncset.done $0x0  }
0x96: {  	s11 =	sadd.s32 $0x1800, s9;
	[sflag:s0] =	ssyncadd.s32 $0xFFFFC000  }
0x97: {  	[hbm4b:s11+s2] =	stream.linear.scatter [tilespmem:s20], [sflag:$0x9], $0x4000, $0x38;
	[tilespmem:$0x1E400] =	vst v63  }
0x98: {  	_ =	swait.ge [sflag:s1], $0x4000  }
0x99: {  	[sflag:s1] =	ssyncset.done $0x0  }
.Ltmp0:
0x9a: {  	s10 =	sadd.s32 $0x680, s10;
	[sflag:s1] =	ssyncadd.s32 $0xFFFFC000;
	(pc) =	sbr.rel @p0 .LBB2_2-.Ltmp0, $4  }
0x9b: {  	[tilespmem:s18], [sflag:$0x2] =	stream.indirect.gather [hbm4b:s3+s16], $0x80, s10, s16, $0xb8;
	[tilespmem:$0x1E400] =	vst v63  }
0x9c: {  	_ =	swait.ge [sflag:s21], $0x4000  }
0x9d: {  	[sflag:s21] =	ssyncset.done $0x0  }
0x9e: {  	s10 =	sadd.s32 $0x2000, s9;
	s9 =	sadd.s32 $0x3000, s9;
	[sflag:s21] =	ssyncadd.s32 $0xFFFFC000  }
0x9f: {  	[hbm4b:s10+s2] =	stream.linear.scatter [tilespmem:s22], [sflag:$0xA], $0x4000, $0x38;
	[tilespmem:$0x1E400] =	vst v63  }
0xa0: {  	_ =	swait.ge [sflag:s26], $0x4000  }
0xa1: {  	[sflag:s26] =	ssyncset.done $0x0  }
0xa2: {  	s8 =	rddreg [dreg:$0x7];
	[sflag:s26] =	ssyncadd.s32 $0xFFFFC000  }
0xa3: {  	[hbm4b:s8+s2] =	stream.linear.scatter [tilespmem:s24], [sflag:$0xB], $0x4000, $0x38;
	[tilespmem:$0x1E400] =	vst v63  }
0xa4: {  	_ =	swait.ge [sflag:s19], $0x4000  }
0xa5: {  	[sflag:s19] =	ssyncset.done $0x0  }
0xa6: {  	s10 =	rddreg [dreg:$0x8];
	[sflag:s19] =	ssyncadd.s32 $0xFFFFC000  }
0xa7: {  	[hbm4b:s10+s2] =	stream.linear.scatter [tilespmem:s28], [sflag:$0xC], $0x4000, $0x38;
	[tilespmem:$0x1E400] =	vst v63  }
0xa8: {  	_ =	swait.ge [sflag:s25], $0x4000  }
0xa9: {  	[sflag:s25] =	ssyncset.done $0x0  }
0xaa: {  	s11 =	rddreg [dreg:$0x9];
	[sflag:s25] =	ssyncadd.s32 $0xFFFFC000  }
0xab: {  	[hbm4b:s11+s2] =	stream.linear.scatter [tilespmem:s17], [sflag:$0x7], $0x4000, $0x38;
	[tilespmem:$0x1E400] =	vst v63  }
0xac: {  	_ =	swait.ge [sflag:s29], $0x4000  }
0xad: {  	[sflag:s29] =	ssyncset.done $0x0  }
0xae: {  	[sflag:s29] =	ssyncadd.s32 $0xFFFFC000  }
0xaf: {  	[hbm4b:s12+s2] =	stream.linear.scatter [tilespmem:s18], [sflag:$0x8], $0x4000, $0x38;
	[tilespmem:$0x1E400] =	vst v63  }
0xb0: {  	_ =	swait.ge [sflag:s23], $0x4000  }
0xb1: {  	[sflag:s23] =	ssyncset.done $0x0  }
0xb2: {  	[sflag:s23] =	ssyncadd.s32 $0xFFFFC000  }
0xb3: {  	_ =	swait.ge [sflag:s31], $0x4000  }
0xb4: {  	[sflag:s31] =	ssyncset.done $0x0  }
0xb5: {  	[sflag:s31] =	ssyncadd.s32 $0xFFFFC000  }
0xb6: {  	_ =	swait.ge [sflag:s4], $0x4000  }
0xb7: {  	[sflag:s4] =	ssyncset.done $0x0  }
0xb8: {  	[sflag:s4] =	ssyncadd.s32 $0xFFFFC000  }
0xb9: {  	_ =	swait.ge [sflag:s6], $0x4000  }
0xba: {  	[sflag:s6] =	ssyncset.done $0x0  }
0xbb: {  	s7 =	sadd.s32 $0x1, s7;
	[sflag:s6] =	ssyncadd.s32 $0xFFFFC000  }
0xbc: {  	p0 =	sne.s32 s7, s13;
	_ =	swait.ge [sflag:s30], $0x4000  }
.Ltmp1:
0xbd: {  	[sflag:s30] =	ssyncset.done $0x0;
	(pc) =	sbr.rel @p0 .LBB2_1-.Ltmp1, $4  }
0xbe: {  	[sflag:s30] =	ssyncadd.s32 $0xFFFFC000  }
0xbf: {  	_ =	swait.ge [sflag:s1], $0x4000  }
0xc0: {  	[sflag:s1] =	ssyncset.done $0x0  }
0xc1: {  	[sflag:s1] =	ssyncadd.s32 $0xFFFFC000  }
0xc2: {  	_ =	sfence.sel $0x180000  }
0xc3: {  	[bflag:$0x0] =	sbarrier.arrive $0xFFFF  }
0xc4: {  	_ =	strace $0x90000047  }
0xc5: {  	s0 =	stileid.u32;
	[bflag:$0x2] =	sbarrier.arrive $0xFFFF  }
0xc6: {  	p0 =	sne.s32 s0, $0x0;
	s0 =	rddreg [dreg:$0x2]  }
0xc7: {  	s0 =	sadd.s32 @!p0 $0x100000, s0  }
0xc8: {  	[sflag:s0] =	ssyncadd.tile.s32 @!p0 $0x1;
	_ =	shalt  }
.Lfunc_end2:
_tile_overlayer_lowered:
.L_overlay_start_2:
0xc9: {  	(tag) =	ssettag $0x2  }
0xca: {  	s0 =	rddreg [dreg:$0x0];
	s2 =	stileid.u32  }
0xcb: {  	s1 =	rddreg [dreg:$0x1];
	p0 =	sne.s32 s2, $0x0  }
0xcc: {  	s3 =	rddreg [dreg:$0x2];
	[bflag:$0x3] =	sbarrier.arrive $0xFFFF;
	s2 =	simm.s32 @!p0 $0x1C0D  }
0xcd: {  	[timem:s3], [sflag:s2] =	dma.local @!p0 [hbm:s0], s1  }
0xce: {  	s0 =	simm.s32 @!p0 $0xD  }
0xcf: {  	_ =	swait.ge @!p0 [sflag:s0], s1  }
0xd0: {  	s1 =	ssub.s32 @!p0 $0x0, s1;
	[sflag:s0] =	ssyncset.done @!p0 $0x0  }
0xd1: {  	[sflag:s0] =	ssyncadd.s32 @!p0 s1  }
0xd2: {  	[bflag:$0x3] =	sbarrier.arrive $0xFFFF  }
0xd3: {  	_ =	shalt  }

// kernel: sparse-core-data-format-call.cloned.1.call-start
scs
called_computation_lowered:
.L_overlay_start_0:
0x0: {  	s2 =	sld [smem:$0x3FD9]  }
0x1: {  	s3 =	sld [smem:$0x3FFE];
	_ =	sdelay $0x1  }
0x2: {  	s1 =	srdreg.scid  }
0x3: {  	s0 =	sand.u32 $0x1, s1  }
0x4: {  	s18 =	sshll.u32 s0, $0xA;
	s2 =	sadd.s32 s3, s2  }
0x5: {  	s2 =	sadd.s32 s2, s18  }
0x6: {  	[smem:$0x3FC6] =	sst s2  }
0x7: {  	_ = 	snop  }
0x8: {  	s2 =	sld [smem:$0x3FD0];
	(tm) =	ssettm $0x1  }
0x9: {  	s19 =	sld [smem:$0x3FFB];
	_ =	sdelay $0x3  }
0xa: {  	_ =	strace s19  }
0xb: {  	s3 =	sld [smem:$0x3FFC];
	_ =	sdelay $0x3  }
0xc: {  	_ =	strace s3  }
0xd: {  	s3 =	sld [smem:$0x3FFD];
	_ =	sdelay $0x3  }
0xe: {  	_ =	strace s3  }
0xf: {  	_ =	strace $0x8FFFFFFF  }
0x10: {  	s20 =	sld [smem:$0x3FDB];
	_ =	sdelay $0x1  }
0x11: {  	s4 =	simm.s32 $_scs_section_size  }
0x12: {  	s5 =	simm.s32 $_size__tile_overlayer_lowered;
	s6 =	simm.s32 $_tile_overlayer_lowered  }
0x13: {  	s23 =	simm.s32 $0x1BFF;
	s22 =	sshll.u32 s6, $0x1;
	s3 =	sadd.s32 s4, s20  }
0x14: {  	s7 =	simm.s32 $0x0;
	s21 =	sshll.u32 s5, $0x1;
	s5 =	sadd.s32 s22, s3  }
0x15: {  	[timem:s7], [sflag:s23] =	dma.local [hbm:s5], s21  }
0x16: {  	_ =	swait.ge [sflag:s23], s21  }
0x17: {  	s4 =	ssub.s32 $0x0, s21;
	[sflag:s23] =	ssyncset.done $0x0  }
0x18: {  	[sflag:s23] =	ssyncadd.s32 s4;
	_ =	sdelay $0x1  }
0x19: {  	s24 =	simm.s32 $0x1B8B  }
0x1a: {  	_ =	swait.ge [sflag:s24], $0x1  }
0x1b: {  	[sflag:s24] =	ssyncset.done $0x0  }
0x1c: {  	s26 =	simm.s32 $0x1B8E;
	s25 =	sld [smem:$0x3FFE];
	[sflag:s24] =	ssyncadd.s32 $0xFFFFFFFF  }
0x1d: {  	s27 =	simm.s32 $execute0_lowered;
	[smem:$0x3FD2] =	sst s26  }
0x1e: {  	s5 =	sshll.u32 s27, $0x1;
	_ =	strace $0x80000049;
	[dreg:$0x1] =	wrdreg $0xFFFFFFFF  }
0x1f: {  	s28 =	simm.s32 $_size_execute0_lowered;
	s3 =	sadd.s32 s3, s5;
	[dreg:$0x0] =	wrdreg $0x0  }
0x20: {  	s5 =	sshll.u32 s28, $0x1;
	[dreg:$0x2] =	wrdreg s3  }
0x21: {  	[dreg:$0x3] =	wrdreg s5  }
0x22: {  	[dreg:$0x4] =	wrdreg $0xC0  }
0x23: {  	_ =	task [dreg:s7], $0x5FFFF  }
0x24: {  	[dreg:$0x1] =	wrdreg $0xFFFFFFFF  }
0x25: {  	[dreg:$0x0] =	wrdreg $0x60  }
0x26: {  	[dreg:$0x2] =	wrdreg s25  }
0x27: {  	[dreg:$0x3] =	wrdreg s2  }
0x28: {  	[dreg:$0x4] =	wrdreg $0x9  }
0x29: {  	_ =	task.clear_ibuf [dreg:s7], $0x5FFFF;
	_ =	strace $0x90000049  }
0x2a: {  	s29 =	simm.s32 $0x9;
	_ =	strace $0x8000004B  }
0x2b: {  	_ =	swait.ge [sflag:s29], $0x1  }
0x2c: {  	[sflag:s29] =	ssyncadd.s32 $0xFFFFFFFF  }
0x2d: {  	_ =	strace $0x9000004B  }
0x2e: {  	_ =	sfence  }
0x2f: {  	s30 =	sld [smem:$0x0];
	_ =	sdelay $0x2  }
0x30: {  	s31 =	sshll.u32 s1, $0xD;
	s1 =	sshrl.u32 s1, $0x2  }
0x31: {  	s3 =	sand.u32 $0x4000, s31;
	s1 =	sadd.s32 s1, s30  }
0x32: {  	s0 =	sor.u32 s3, s0;
	s1 =	sshll.u32 s1, $0x11  }
0x33: {  	s0 =	sor.u32 s1, s0  }
0x34: {  	s0 =	sadd.s32 $0x8F2B, s0  }
0x35: {  	[sflag:s0] =	ssyncadd.remote.s32 $0x1  }
0x36: {  	_ =	sfence.sel $0xFFFF  }
0x37: {  	[dreg:$0x0] =	wrdreg $0xFFFFFFFF;
	(pc) =	sbr.abs _section_cstart, $3  }
0x38: {  	[dreg:$0x1] =	wrdreg $0xFFFFFFFF  }
0x39: {  	_ =	task.clear_ibuf [dreg:s7], $0x2FFFF;
	_ =	strace $0x9FFFFFFF  }
0x3a: {  	(tm) =	ssettm $0x7FFFFFFF  }
0x3b: {  	_ =	shalt  }
tec
execute0_lowered:
.L_overlay_start_1:
0x0: {  	(tag) =	ssettag $0x1  }
0x1: {  	s0 =	srdreg.scid  }
0x2: {  	s1 =	sshll.u32 s0, $0x4  }
0x3: {  	s5 =	rddreg [dreg:$0x0];
	s0 =	stileid.u32;
	s1 =	sand.u32 $0x10, s1  }
0x4: {  	s3 =	rddreg [dreg:$0x1];
	s31 =	simm.s32 $0x2;
	s4 =	sor.u32 s0, s1  }
0x5: {  	s13 =	simm.s32 $0x0;
	s9 =	simm.s32 $0x400;
	s2 =	sshll.u32 s4, $0x7  }
0x6: {  	s10 =	simm.s32 $0x8000;
	s14 =	simm.s32 $0x0;
	s6 =	ssub.s32 $0x1000, s2  }
0x7: {  	s1 =	rddreg [dreg:$0x2];
	_ =	strace $0x8000004A;
	s7 =	sand.u32 $0xF80, s6  }
0x8: {  	s4 =	sshll.u32 s4, $0xB;
	p0 =	sne.s32 s7, $0x0;
	s7 =	simm.s32 $0x1  }
.Ltmp0:
0x9: {  	s6 =	sshrl.u32 s6, $0xC;
	s7 =	simm.s32 @!p0 $0x0;
	(pc) =	sbr.rel .LBB1_1-.Ltmp0, $4  }
0xa: {  	s8 =	sadd.s32 s4, s5;
	s4 =	simm.s32 $0x1;
	s30 =	sadd.s32 s7, s6  }
0xb: {  	s11 =	simm.s32 $0x0;
	[sflag:s4] =	ssyncpa.u1 $0x0;
	s5 =	smul.u32 $0x64, s30  }
0xc: {  	s12 =	simm.s32 $0x0;
	[sflag:s31] =	ssyncpa.u1 $0x0;
	p0 =	por $0x0, $0x0  }
0xd: {  	s6 =	sadd.s32 $0xA00, s8;
	s7 =	sadd.s32 $0x10A00, s8;
	s8 =	sor.u32 $0x1, s5  }
.LBB1_7:
0xe: {  	s15 =	sadd.s32 $0x2, s11  }
0xf: {  	p2 =	sgt.s32 s15, $0xC7  }
0x10: {  	s15 =	simm.s32 @p2 $0x0;
	p2 =	sne.s32 s12, s8  }
.Ltmp1:
0x11: {  	p1 =	slt.u32 s12, $0x2;
	(pc) =	sbr.rel @!p2 .LBB1_8-.Ltmp1, $4  }
0x12: {  	s13 =	simm.s32 @!p1 $0x2  }
0x13: {  	s16 =	sadd.s32 $0x1, s12;
	s14 =	smov.u32 s11;
	_ =	swait.ge @!p1 [sflag:s13], $0x4000  }
0x14: {  	p0 =	por !p0, !p0;
	s12 =	smov.u32 s16;
	[sflag:s13] =	ssyncset.done @!p1 $0x0  }
0x15: {  	s11 =	smov.u32 s15;
	[sflag:s13] =	ssyncadd.s32 @!p1 $0xFFFFC000;
	s13 =	smov.u32 s2  }
.LBB1_1:
0x16: {  	p1 =	sge.u32 s12, s5  }
0x17: {  	s15 =	sxor.u32 @!p1 $0xFFFFFFFF, s12  }
0x18: {  	s16 =	sshll.u32 @!p1 s11, $0x10;
	s18 =	simm.s32 @!p1 $0x40;
	s15 =	sshll.u32 @!p1 s15, $0xE  }
0x19: {  	s19 =	simm.s32 @!p1 $0x80;
	s17 =	sadd.s32 @!p1 s16, s6;
	s15 =	sand.u32 @!p1 $0x4000, s15  }
0x1a: {  	[tilespmem:s15], [sflag:$0x1] =	stream.strided.gather @!p1 [hbm4b:s17+s18], $0x2000, s19, s18, $0x38;
	[tilespmem:$0x10100] =	vst v63  }
0x1b: {  	s31 =	sadd.s32 $0xFFFFFFFF, s12;
	s16 =	sadd.s32 @!p1 s16, s7;
	s15 =	sor.u32 @!p1 $0x2000, s15  }
0x1c: {  	[tilespmem:s15], [sflag:$0x1] =	stream.strided.gather @!p1 [hbm4b:s16+s18], $0x2000, s19, s18, $0x38;
	[tilespmem:$0x10100] =	vst v63  }
0x1d: {  	p1 =	sge.u32 s31, s5  }
.Ltmp2:
0x1e: {  	_ = 	snop;
	(pc) =	sbr.rel @p1 .LBB1_7-.Ltmp2, $1  }
0x1f: {  	_ =	sdelay $0x3  }
0x20: {  	s15 =	simm.s32 $0x1;
	s17 =	sand.u32 $0x1, s12  }
0x21: {  	_ =	swait.ge [sflag:s4], $0x4000;
	s15 =	simm.s32 @!p0 $0x0;
	s17 =	smul.u32 $0x10200, s17  }
0x22: {  	p2 =	por $0x1, $0x1;
	[sflag:s4] =	ssyncset.done $0x0;
	s16 =	smul.u32 $0x10200, s15  }
0x23: {  	s18 =	sshll.u32 s15, $0x10;
	[sflag:s4] =	ssyncadd.s32 $0xFFFFC000;
	s30 =	sshrl.u32 s17, $0x2  }
0x24: {  	s31 =	sshrl.u32 s18, $0x2;
	s18 =	simm.s32 $0x0;
	s16 =	sshrl.u32 s16, $0x2  }
0x25: {  	s15 =	sor.u32 $0x8000, s30;
	s17 =	sadd.s32 $0x20, s31;
	s16 =	sor.u32 $0x8000, s16  }
.LBB1_3:
0x26: {  	s19 =	sshll.u32 s18, $0xD  }
0x27: {  	s19 =	sand.u32 $0x3FFFE000, s19  }
0x28: {  	s21 =	sadd.s32 s19, s17  }
0x29: {  	s31 =	smul.u32 $0x8100, s18;
	v3 =	vld [tilespmem:s21+$0x10]  }
0x2a: {  	v1 =	vld [tilespmem:s21+$0xFFFFFFF0]  }
0x2b: {  	s18 =	sshra.s32 s31, $0x2;
	v0 =	vld [tilespmem:s21+$0x0]  }
0x2c: {  	s18 =	sadd.s32 s18, s16;
	v2 =	vld [tilespmem:s21+$0xFFFFFFE0]  }
0x2d: {  	s19 =	sadd.s32 $0x0, s18  }
0x2e: {  	p1 =	por p2, p2;
	s20 =	simm.s32 $0x4;
	s21 =	sadd.s32 $0x40, s21;
	[tilespmem:s19+$0x1830 ss:$0x81] =	vst.msk $0xffff, v3  }
.LBB1_4:
0x2f: {  	v3 =	vld [tilespmem:s21+$0x10];
	p2 =	sne.s32 s20, $0x1FC;
	[tilespmem:s19+$0x810 ss:$0x81] =	vst.msk $0xffff, v1;
	s22 =	smov.u32 s20;
	s20 =	sadd.s32 $0x4, s20  }
.Ltmp3:
0x30: {  	v1 =	vld [tilespmem:s21+$0xFFFFFFF0];
	[tilespmem:s19+$0x1020 ss:$0x81] =	vst.msk $0xffff, v0;
	(pc) =	sbr.rel @p2 .LBB1_4-.Ltmp3, $4  }
0x31: {  	v0 =	vld [tilespmem:s21+$0x0];
	[tilespmem:s19+$0x0 ss:$0x81] =	vst.msk $0xffff, v2  }
0x32: {  	s19 =	sshra.s32 s22, $0x2;
	v2 =	vld [tilespmem:s21+$0xFFFFFFE0]  }
0x33: {  	s19 =	sadd.s32 s19, s18  }
0x34: {  	s21 =	sadd.s32 $0x40, s21;
	[tilespmem:s19+$0x1830 ss:$0x81] =	vst.msk $0xffff, v3  }
.Ltmp4:
0x35: {  	(pc) =	sbr.rel @p1 .LBB1_3-.Ltmp4, $4  }
0x36: {  	_ = 	snop  }
0x37: {  	[tilespmem:s19+$0x810 ss:$0x81] =	vst.msk $0xffff, v1  }
0x38: {  	[tilespmem:s19+$0x1020 ss:$0x81] =	vst.msk $0xffff, v0  }
0x39: {  	s18 =	simm.s32 $0x1;
	p2 =	por $0x0, $0x0;
	[tilespmem:s19+$0x0 ss:$0x81] =	vst.msk $0xffff, v2  }
.Ltmp5:
0x3a: {  	(pc) =	sbr.rel .LBB1_7-.Ltmp5, $4  }
0x3b: {  	s14 =	sshll.u32 s14, $0xF  }
0x3c: {  	s14 =	sadd.s32 s3, s14  }
0x3d: {  	s13 =	sadd.s32 s13, s14  }
0x3e: {  	[hbm4b:s13+s9] =	stream.strided.scatter [tilespmem:s15], [sflag:$0x2], $0x4000, s10, s9, $0x20;
	[tilespmem:$0x10100] =	vst v63  }
.LBB1_8:
0x3f: {  	_ =	sfence.sel $0x180000  }
0x40: {  	s2 =	simm.s32 $0x1;
	[bflag:$0x0] =	sbarrier.arrive $0xFFFF  }
0x41: {  	s31 =	simm.s32 $0x2;
	[sflag:s2] =	ssyncpa.u1 $0x1  }
0x42: {  	[sflag:s31] =	ssyncpa.u1 $0x1  }
0x43: {  	p0 =	sne.s32 s0, $0x0;
	_ =	strace $0x9000004A  }
0x44: {  	s0 =	sadd.s32 @!p0 $0x100000, s1;
	[bflag:$0x2] =	sbarrier.arrive $0xFFFF  }
0x45: {  	[sflag:s0] =	ssyncadd.tile.s32 @!p0 $0x1;
	_ =	shalt  }
.Lfunc_end1:
_tile_overlayer_lowered:
.L_overlay_start_2:
0x46: {  	(tag) =	ssettag $0x2  }
0x47: {  	s0 =	rddreg [dreg:$0x0];
	s2 =	stileid.u32  }
0x48: {  	s1 =	rddreg [dreg:$0x1];
	p0 =	sne.s32 s2, $0x0  }
0x49: {  	s3 =	rddreg [dreg:$0x2];
	[bflag:$0x3] =	sbarrier.arrive $0xFFFF;
	s2 =	simm.s32 @!p0 $0x1C01  }
0x4a: {  	[timem:s3], [sflag:s2] =	dma.local @!p0 [hbm:s0], s1  }
0x4b: {  	s0 =	simm.s32 @!p0 $0x1  }
0x4c: {  	_ =	swait.ge @!p0 [sflag:s0], s1  }
0x4d: {  	s1 =	ssub.s32 @!p0 $0x0, s1;
	[sflag:s0] =	ssyncset.done @!p0 $0x0  }
0x4e: {  	[sflag:s0] =	ssyncadd.s32 @!p0 s1  }
0x4f: {  	[bflag:$0x3] =	sbarrier.arrive $0xFFFF  }
0x50: {  	_ =	shalt  }

</sc_bundles>
